<compile_context>
chip_gen: v7x
topology: tpu7x:2x2x1
jax: 0.10.2.dev20260603
libtpu: 0.0.44.dev20260713+nightly
codegen_flags: <defaults>
</compile_context>

<pallas_src>
import functools

import jax
import jax.numpy as jnp
from jax import lax
from jax.experimental import pallas as pl
from jax.experimental.pallas import tpu as pltpu
from jax.experimental.pallas import tpu_sc as plsc

NF = 26
NV = 100001
EMB = 32
BATCH = 16384
DW = NF * EMB
NW = 32
BPW = BATCH // NW
CH = 16
NCH = BPW // CH
GRP = CH * NF // 32
VS = 100096
QPF = VS // 4
VBLK = VS // 8
QBLK = VBLK // 4
QROWS = NF * QPF
BB = 1024
NBLK = BATCH // BB
EPS = 1e-5


def _rp_body(t0, t1, t2, t3, o_ref):
    o_ref[...] = jnp.concatenate(
        [t0[0], t1[0], t2[0], t3[0]], axis=1
    )


def _repack_table(emb_tables):
    def spec(s):
        return pl.BlockSpec((1, QBLK, EMB), lambda f, j, s=s: (f, s * 8 + j, 0))

    return pl.pallas_call(
        _rp_body,
        grid=(NF, 8),
        in_specs=[spec(0), spec(1), spec(2), spec(3)],
        out_specs=pl.BlockSpec((QBLK, 4 * EMB), lambda f, j: (f * 8 + j, 0)),
        out_shape=jax.ShapeDtypeStruct((QROWS, 4 * EMB), jnp.float32),
    )(emb_tables, emb_tables, emb_tables, emb_tables)


def _sc_gather(rt, qidx, soff):
    mesh = plsc.VectorSubcoreMesh(core_axis_name="c", subcore_axis_name="s")

    @functools.partial(
        pl.kernel,
        out_type=jax.ShapeDtypeStruct((BATCH, DW), jnp.float32),
        mesh=mesh,
        compiler_params=pltpu.CompilerParams(
            needs_layout_passes=False, use_tc_tiling_on_sc=False
        ),
        scratch_types=[
            pltpu.VMEM((GRP, 32), jnp.int32),
            pltpu.VMEM((CH, 32), jnp.int32),
            pltpu.VMEM((CH * NF, 4 * EMB), jnp.float32),
            pltpu.VMEM((CH, DW), jnp.float32),
            pltpu.SemaphoreType.DMA,
        ],
    )
    def gather_kernel(rt_h, qidx_h, soff_h, out, qv, sv, gbuf, obuf, gsem):
        wid = lax.axis_index("s") * 2 + lax.axis_index("c")
        base = wid * BPW

        @pl.loop(0, NCH)
        def _chunk(c):
            row0 = base + c * CH
            ci = wid * NCH + c
            pltpu.sync_copy(qidx_h.at[ci], qv)
            pltpu.sync_copy(soff_h.at[pl.ds(row0, CH), :], sv)

            @pl.loop(0, GRP)
            def _fire(g):
                pltpu.async_copy(
                    rt_h.at[qv.at[g]], gbuf.at[pl.ds(g * 32, 32)], gsem
                )

            pltpu.make_async_copy(
                rt_h.at[pl.ds(0, CH * NF), :], gbuf, gsem
            ).wait()

            @pl.loop(0, CH)
            def _asm(b):
                iota = lax.iota(jnp.int32, 16)
                brow = iota * 0 + b
                for half in range(2):
                    rows = jnp.minimum(
                        b * NF + half * 16 + iota, CH * NF - 1
                    )
                    svv = sv[b, pl.ds(half * 16, 16)]
                    pos0 = (half * 16) * EMB + iota * EMB
                    msk = None if half == 0 else iota < (NF - 16)
                    for e in range(EMB):
                        vals = plsc.load_gather(gbuf, [rows, svv + e])
                        plsc.store_scatter(
                            obuf, [brow, pos0 + e], vals, mask=msk
                        )

            pltpu.sync_copy(obuf, out.at[pl.ds(row0, CH), :])

    return gather_kernel(rt, qidx, soff)


def _stats_part(h):
    return jnp.concatenate(
        [
            jnp.sum(h, axis=0, keepdims=True),
            jnp.sum(h * h, axis=0, keepdims=True),
            jnp.zeros((6, h.shape[1]), jnp.float32),
        ],
        axis=0,
    )


def _l1_body(xc_ref, num_ref, w_ref, wl_ref, b_ref, h_ref, st_ref):
    i = pl.program_id(0)
    acc = jnp.dot(xc_ref[...], w_ref[...], preferred_element_type=jnp.float32)
    acc = acc + num_ref[...] * wl_ref[...] + b_ref[...]
    h = jnp.maximum(acc, 0.0)
    h_ref[...] = h

    @pl.when(i == 0)
    def _():
        st_ref[...] = jnp.zeros_like(st_ref)

    st_ref[...] += _stats_part(h)


def _mid_body(h_ref, st_ref, g_ref, be_ref, w_ref, b_ref, o_ref, st2_ref):
    i = pl.program_id(0)
    mean = st_ref[0:1, :] * (1.0 / BATCH)
    var = st_ref[1:2, :] * (1.0 / BATCH) - mean * mean
    inv = g_ref[...] * lax.rsqrt(var + EPS)
    xn = (h_ref[...] - mean) * inv + be_ref[...]
    acc = jnp.dot(xn, w_ref[...], preferred_element_type=jnp.float32) + b_ref[...]
    h = jnp.maximum(acc, 0.0)
    o_ref[...] = h

    @pl.when(i == 0)
    def _():
        st2_ref[...] = jnp.zeros_like(st2_ref)

    st2_ref[...] += _stats_part(h)


def _fin_body(h_ref, st_ref, g_ref, be_ref, wo_ref, wide_ref, w1_ref, b1_ref,
              w2_ref, bf_ref, o_ref):
    mean = st_ref[0:1, :] * (1.0 / BATCH)
    var = st_ref[1:2, :] * (1.0 / BATCH) - mean * mean
    inv = g_ref[...] * lax.rsqrt(var + EPS)
    xn = (h_ref[...] - mean) * inv + be_ref[...]
    deep = jnp.dot(xn, wo_ref[...], preferred_element_type=jnp.float32)
    wh = jnp.maximum(
        jnp.dot(wide_ref[...], w1_ref[...], preferred_element_type=jnp.float32)
        + b1_ref[...],
        0.0,
    )
    wo = jnp.dot(wh, w2_ref[...], preferred_element_type=jnp.float32)
    o_ref[...] = jax.nn.sigmoid(deep + wo + bf_ref[...])


def _full(shape):
    return pl.BlockSpec(shape, lambda i: (0, 0))


def kernel(wide_input, deep_numerical_inputs, cat_inputs, params):
    p = params
    cat = cat_inputs.astype(jnp.int32)
    foff = jnp.arange(NF, dtype=jnp.int32) * QPF
    qidx = (cat % QPF + foff[None, :]).reshape(NW * NCH, GRP, 32)
    soff = jnp.pad((cat // QPF) * EMB, ((0, 0), (0, 32 - NF)))
    rt = _repack_table(p["emb_tables"])
    xc = _sc_gather(rt, qidx, soff)

    w0 = p["W_0"]
    h1, st1 = pl.pallas_call(
        _l1_body,
        grid=(NBLK,),
        in_specs=[
            pl.BlockSpec((BB, DW), lambda i: (i, 0)),
            pl.BlockSpec((BB, 1), lambda i: (i, 0)),
            _full((DW, 1024)),
            _full((1, 1024)),
            _full((1, 1024)),
        ],
        out_specs=[
            pl.BlockSpec((BB, 1024), lambda i: (i, 0)),
            _full((8, 1024)),
        ],
        out_shape=[
            jax.ShapeDtypeStruct((BATCH, 1024), jnp.float32),
            jax.ShapeDtypeStruct((8, 1024), jnp.float32),
        ],
    )(xc, deep_numerical_inputs, w0[:DW], w0[DW:DW + 1],
      p["b_0"].reshape(1, 1024))

    def mid(h, st, li, n_in, n_out):
        return pl.pallas_call(
            _mid_body,
            grid=(NBLK,),
            in_specs=[
                pl.BlockSpec((BB, n_in), lambda i: (i, 0)),
                _full((8, n_in)),
                _full((1, n_in)),
                _full((1, n_in)),
                _full((n_in, n_out)),
                _full((1, n_out)),
            ],
            out_specs=[
                pl.BlockSpec((BB, n_out), lambda i: (i, 0)),
                _full((8, n_out)),
            ],
            out_shape=[
                jax.ShapeDtypeStruct((BATCH, n_out), jnp.float32),
                jax.ShapeDtypeStruct((8, n_out), jnp.float32),
            ],
        )(h, st, p["bn_g_%d" % li].reshape(1, n_in),
          p["bn_b_%d" % li].reshape(1, n_in), p["W_%d" % (li + 1)],
          p["b_%d" % (li + 1)].reshape(1, n_out))

    h2, st2 = mid(h1, st1, 0, 1024, 512)
    h3, st3 = mid(h2, st2, 1, 512, 256)

    fw0 = p["final_W"][0, 0]
    fw1 = p["final_W"][1, 0]
    wout = p["W_out"] * fw1
    w2 = p["wide_W2"] * fw0
    bfin = (p["b_out"] * fw1 + p["wide_b2"] * fw0 + p["final_b"]).reshape(1, 1)

    out = pl.pallas_call(
        _fin_body,
        grid=(NBLK,),
        in_specs=[
            pl.BlockSpec((BB, 256), lambda i: (i, 0)),
            _full((8, 256)),
            _full((1, 256)),
            _full((1, 256)),
            _full((256, 1)),
            pl.BlockSpec((BB, 128), lambda i: (i, 0)),
            _full((128, 32)),
            _full((1, 32)),
            _full((32, 1)),
            _full((1, 1)),
        ],
        out_specs=pl.BlockSpec((BB, 1), lambda i: (i, 0)),
        out_shape=jax.ShapeDtypeStruct((BATCH, 1), jnp.float32),
    )(h3, st3, p["bn_g_2"].reshape(1, 256), p["bn_b_2"].reshape(1, 256),
      wout, wide_input, p["wide_W1"], p["wide_b1"].reshape(1, 32), w2, bfin)

    return out

# --- scband reference (transcript-rebuilt; emitter-appended) ---
"""Pipeline reference for scband-deep-wide-model-41180146434856 (READ-ONLY COPY).

The authoritative reference and input builder live on the scoring server;
editing this copy changes nothing except your own understanding.
"""

import jax, jax.numpy as jnp
import numpy as np

N_FIELDS = 26
VOCAB = 100000
EMB = 32
B = 16384
WIDE = 128
HID = [1024, 512, 256]


def setup_inputs(seed: int = 0):
    key = jax.random.key(seed)
    ks = jax.random.split(key, 64)
    inp = {}
    inp["wide_input"] = jax.random.normal(ks[0], (B, WIDE), dtype=jnp.float32)
    inp["deep_numerical_inputs"] = jax.random.normal(ks[1], (B, 1), dtype=jnp.float32)
    inp["cat_inputs"] = jax.random.randint(ks[2], (B, N_FIELDS), 0, VOCAB)
    params = {}
    params["emb_tables"] = jax.random.normal(ks[3], (N_FIELDS, VOCAB + 1, EMB), dtype=jnp.float32) * 0.01
    params["wide_W1"] = jax.random.normal(ks[4], (WIDE, 32), dtype=jnp.float32) * (1.0 / np.sqrt(WIDE))
    params["wide_b1"] = jnp.zeros((32,), dtype=jnp.float32)
    params["wide_W2"] = jax.random.normal(ks[5], (32, 1), dtype=jnp.float32) * (1.0 / np.sqrt(32))
    params["wide_b2"] = jnp.zeros((1,), dtype=jnp.float32)
    in_dim = N_FIELDS * EMB + 1
    for i, units in enumerate(HID):
        params["W_%d" % i] = jax.random.normal(ks[6 + 2 * i], (in_dim, units), dtype=jnp.float32) * (1.0 / np.sqrt(in_dim))
        params["b_%d" % i] = jnp.zeros((units,), dtype=jnp.float32)
        params["bn_g_%d" % i] = jnp.ones((units,), dtype=jnp.float32)
        params["bn_b_%d" % i] = jnp.zeros((units,), dtype=jnp.float32)
        in_dim = units
    params["W_out"] = jax.random.normal(ks[20], (in_dim, 1), dtype=jnp.float32) * (1.0 / np.sqrt(in_dim))
    params["b_out"] = jnp.zeros((1,), dtype=jnp.float32)
    params["final_W"] = jax.random.normal(ks[21], (2, 1), dtype=jnp.float32)
    params["final_b"] = jnp.zeros((1,), dtype=jnp.float32)
    inp["params"] = params
    return inp


def _forward(wide_input, deep_numerical_inputs, params, cat_inputs):
    p = params
    wide_h = jnp.maximum(wide_input @ p["wide_W1"] + p["wide_b1"], 0.0)
    wide_out = wide_h @ p["wide_W2"] + p["wide_b2"]
    embeds = [jnp.take(p["emb_tables"][i], cat_inputs[:, i], axis=0) for i in range(N_FIELDS)]
    x = jnp.concatenate(embeds + [deep_numerical_inputs], axis=1)
    for i in range(len(HID)):
        x = x @ p["W_%d" % i] + p["b_%d" % i]
        x = jnp.maximum(x, 0.0)
        mean = jnp.mean(x, axis=0)
        var = jnp.var(x, axis=0)
        x = (x - mean) / jnp.sqrt(var + 1e-5) * p["bn_g_%d" % i] + p["bn_b_%d" % i]
        # dropout is identity in deterministic/eval mode
    deep_out = x @ p["W_out"] + p["b_out"]
    concat = jnp.concatenate([wide_out, deep_out], axis=1)
    return jax.nn.sigmoid(concat @ p["final_W"] + p["final_b"])


def reference(wide_input, deep_numerical_inputs, cat_inputs, params):
    return _forward(wide_input, deep_numerical_inputs, params, cat_inputs)

if __name__ == "__main__":
    import jax
    _d = setup_inputs()
    print(jax.jit(kernel)(*tuple(_d.values())))

</pallas_src>

<mosaic_0001>
#map = affine_map<(d0, d1) -> (0, 0)>
#map1 = affine_map<(d0, d1) -> (0, 0, 0)>
module attributes {stable_mosaic.version = 14 : i64} {
  func.func @gather_kernel(%arg0: i32, %arg1: i32, %arg2: memref<650624x128xf32, #tpu.memory_space<hbm>>, %arg3: memref<1024x13x32xi32, #tpu.memory_space<hbm>>, %arg4: memref<16384x32xi32, #tpu.memory_space<hbm>>, %arg5: memref<16384x832xf32, #tpu.memory_space<hbm>>, %arg6: memref<13x32xi32, #tpu.memory_space<vmem>>, %arg7: memref<16x32xi32, #tpu.memory_space<vmem>>, %arg8: memref<416x128xf32, #tpu.memory_space<vmem>>, %arg9: memref<16x832xf32, #tpu.memory_space<vmem>>, %arg10: memref<!tpu.dma_semaphore, #tpu.memory_space<semaphore_mem>>) attributes {dimension_semantics = [#tpu.dimension_semantics<core_parallel>, #tpu.dimension_semantics<subcore_parallel>], iteration_bounds = array<i64: 2, 16>, scalar_prefetch = 0 : i64, scratch_operands = 5 : i64, tpu.core_type = #tpu.core_type<sc_vector_subcore>, window_params = [{transform_indices = #map}, {transform_indices = #map1}, {transform_indices = #map}, {transform_indices = #map}]} {
    %mul3A = arith.constant 2 : i32
    %mul3A_0 = arith.muli %arg1, %mul3A : i32
    %add3A = arith.addi %mul3A_0, %arg0 : i32
    %mul3A_1 = arith.constant 512 : i32
    %mul3A_2 = arith.muli %add3A, %mul3A_1 : i32
    %scan3A = arith.constant 0 : i32
    %scan3A_3 = arith.constant 32 : i32
    %scan3A_4 = arith.addi %scan3A, %scan3A_3 : i32
    %scan3A_5 = arith.constant 1 : i32
    scf.for %scan3A_7 = %scan3A to %scan3A_4 step %scan3A_5  : i32 {
      %mul3A_8 = arith.constant 1 : i32
      %mul3A_9 = arith.muli %scan3A_7, %mul3A_8 : i32
      %add3A_10 = arith.constant 0 : i32
      %add3A_11 = arith.addi %add3A_10, %mul3A_9 : i32
      %mul3A_12 = arith.constant 16 : i32
      %mul3A_13 = arith.muli %add3A_11, %mul3A_12 : i32
      %add3A_14 = arith.addi %mul3A_2, %mul3A_13 : i32
      %mul3A_15 = arith.constant 32 : i32
      %mul3A_16 = arith.muli %add3A, %mul3A_15 : i32
      %add3A_17 = arith.addi %mul3A_16, %add3A_11 : i32
      "tpu.region"() ({
        %run_scoped3A = tpu.sem_alloc : memref<!tpu.dma_semaphore, #tpu.memory_space<semaphore_mem>>
        %dma_start3A = arith.constant 0 : i32
        %dma_start3A_33 = arith.constant 0 : i32
        %dma_start3A_34 = tpu.memref_slice %arg3[%add3A_17, %dma_start3A, %dma_start3A_33] : memref<1024x13x32xi32, #tpu.memory_space<hbm>> -> memref<1x13x32xi32, #tpu.memory_space<hbm>>
        %dma_start3A_35 = tpu.memref_squeeze %dma_start3A_34 : memref<1x13x32xi32, #tpu.memory_space<hbm>> -> memref<13x32xi32, #tpu.memory_space<hbm>>
        %dma_start3A_36 = arith.constant 0 : i32
        %dma_start3A_37 = arith.constant 0 : i32
        %dma_start3A_38 = tpu.memref_slice %arg3[%add3A_17, %dma_start3A_36, %dma_start3A_37] : memref<1024x13x32xi32, #tpu.memory_space<hbm>> -> memref<1x13x32xi32, #tpu.memory_space<hbm>>
        %dma_start3A_39 = tpu.memref_squeeze %dma_start3A_38 : memref<1x13x32xi32, #tpu.memory_space<hbm>> -> memref<13x32xi32, #tpu.memory_space<hbm>>
        tpu.enqueue_dma source(%dma_start3A_39 : memref<13x32xi32, #tpu.memory_space<hbm>>) target(%arg6 : memref<13x32xi32, #tpu.memory_space<vmem>>) target_semaphore(%run_scoped3A : memref<!tpu.dma_semaphore, #tpu.memory_space<semaphore_mem>>)
        %dma_wait3A_40 = arith.constant 0 : i32
        %dma_wait3A_41 = arith.constant 0 : i32
        %dma_wait3A_42 = tpu.memref_slice %arg3[%add3A_17, %dma_wait3A_40, %dma_wait3A_41] : memref<1024x13x32xi32, #tpu.memory_space<hbm>> -> memref<1x13x32xi32, #tpu.memory_space<hbm>>
        %dma_wait3A_43 = tpu.memref_squeeze %dma_wait3A_42 : memref<1x13x32xi32, #tpu.memory_space<hbm>> -> memref<13x32xi32, #tpu.memory_space<hbm>>
        %dma_wait3A_44 = arith.constant 0 : i32
        %dma_wait3A_45 = arith.constant 0 : i32
        %dma_wait3A_46 = tpu.memref_slice %arg3[%add3A_17, %dma_wait3A_44, %dma_wait3A_45] : memref<1024x13x32xi32, #tpu.memory_space<hbm>> -> memref<1x13x32xi32, #tpu.memory_space<hbm>>
        %dma_wait3A_47 = tpu.memref_squeeze %dma_wait3A_46 : memref<1x13x32xi32, #tpu.memory_space<hbm>> -> memref<13x32xi32, #tpu.memory_space<hbm>>
        tpu.wait_dma2 semaphore(%run_scoped3A : memref<!tpu.dma_semaphore, #tpu.memory_space<semaphore_mem>>) src(%dma_wait3A_47 : memref<13x32xi32, #tpu.memory_space<hbm>>) dst(%arg6 : memref<13x32xi32, #tpu.memory_space<vmem>>)
        tpu.yield
      }) : () -> ()
      "tpu.region"() ({
        %run_scoped3A = tpu.sem_alloc : memref<!tpu.dma_semaphore, #tpu.memory_space<semaphore_mem>>
        %dma_start3A = arith.constant 0 : i32
        %dma_start3A_33 = tpu.memref_slice %arg4[%add3A_14, %dma_start3A] : memref<16384x32xi32, #tpu.memory_space<hbm>> -> memref<16x32xi32, #tpu.memory_space<hbm>>
        %dma_start3A_34 = arith.constant 0 : i32
        %dma_start3A_35 = tpu.memref_slice %arg4[%add3A_14, %dma_start3A_34] : memref<16384x32xi32, #tpu.memory_space<hbm>> -> memref<16x32xi32, #tpu.memory_space<hbm>>
        tpu.enqueue_dma source(%dma_start3A_35 : memref<16x32xi32, #tpu.memory_space<hbm>>) target(%arg7 : memref<16x32xi32, #tpu.memory_space<vmem>>) target_semaphore(%run_scoped3A : memref<!tpu.dma_semaphore, #tpu.memory_space<semaphore_mem>>)
        %dma_wait3A_36 = arith.constant 0 : i32
        %dma_wait3A_37 = tpu.memref_slice %arg4[%add3A_14, %dma_wait3A_36] : memref<16384x32xi32, #tpu.memory_space<hbm>> -> memref<16x32xi32, #tpu.memory_space<hbm>>
        %dma_wait3A_38 = arith.constant 0 : i32
        %dma_wait3A_39 = tpu.memref_slice %arg4[%add3A_14, %dma_wait3A_38] : memref<16384x32xi32, #tpu.memory_space<hbm>> -> memref<16x32xi32, #tpu.memory_space<hbm>>
        tpu.wait_dma2 semaphore(%run_scoped3A : memref<!tpu.dma_semaphore, #tpu.memory_space<semaphore_mem>>) src(%dma_wait3A_39 : memref<16x32xi32, #tpu.memory_space<hbm>>) dst(%arg7 : memref<16x32xi32, #tpu.memory_space<vmem>>)
        tpu.yield
      }) : () -> ()
      %scan3A_18 = arith.constant 0 : i32
      %scan3A_19 = arith.constant 13 : i32
      %scan3A_20 = arith.addi %scan3A_18, %scan3A_19 : i32
      %scan3A_21 = arith.constant 1 : i32
      scf.for %scan3A_33 = %scan3A_18 to %scan3A_20 step %scan3A_21  : i32 {
        %mul3A_34 = arith.constant 1 : i32
        %mul3A_35 = arith.muli %scan3A_33, %mul3A_34 : i32
        %add3A_36 = arith.constant 0 : i32
        %add3A_37 = arith.addi %add3A_36, %mul3A_35 : i32
        %mul3A_38 = arith.constant 32 : i32
        %mul3A_39 = arith.muli %add3A_37, %mul3A_38 : i32
        %dma_start3A = arith.constant 0 : i32
        %dma_start3A_40 = tpu.memref_slice %arg8[%mul3A_39, %dma_start3A] : memref<416x128xf32, #tpu.memory_space<vmem>> -> memref<32x128xf32, #tpu.memory_space<vmem>>
        %dma_start3A_41 = arith.constant 0 : i32
        %dma_start3A_42 = tpu.memref_slice %arg6[%add3A_37, %dma_start3A_41] : memref<13x32xi32, #tpu.memory_space<vmem>> -> memref<1x32xi32, #tpu.memory_space<vmem>>
        %dma_start3A_43 = tpu.memref_squeeze %dma_start3A_42 : memref<1x32xi32, #tpu.memory_space<vmem>> -> memref<32xi32, #tpu.memory_space<vmem>>
        %dma_start3A_44 = arith.constant 0 : i32
        %dma_start3A_45 = arith.constant 0 : i32
        %dma_start3A_46 = tpu.memref_slice %arg2[%dma_start3A_44, %dma_start3A_45] : memref<650624x128xf32, #tpu.memory_space<hbm>> -> memref<650624x128xf32, #tpu.memory_space<hbm>>
        tpu.enqueue_indirect_dma source(%dma_start3A_46 : memref<650624x128xf32, #tpu.memory_space<hbm>>) target(%dma_start3A_40 : memref<32x128xf32, #tpu.memory_space<vmem>>) offsets(%dma_start3A_43 : memref<32xi32, #tpu.memory_space<vmem>>) semaphore(%arg10 : memref<!tpu.dma_semaphore, #tpu.memory_space<semaphore_mem>>)
      }
      %scan3A_22 = arith.constant 13 : i32
      %dma_wait3A = arith.constant 0 : i32
      %dma_wait3A_23 = arith.constant 0 : i32
      %dma_wait3A_24 = tpu.memref_slice %arg2[%dma_wait3A, %dma_wait3A_23] : memref<650624x128xf32, #tpu.memory_space<hbm>> -> memref<416x128xf32, #tpu.memory_space<hbm>>
      %dma_wait3A_25 = arith.constant 0 : i32
      %dma_wait3A_26 = arith.constant 0 : i32
      %dma_wait3A_27 = tpu.memref_slice %arg2[%dma_wait3A_25, %dma_wait3A_26] : memref<650624x128xf32, #tpu.memory_space<hbm>> -> memref<416x128xf32, #tpu.memory_space<hbm>>
      tpu.wait_dma2 semaphore(%arg10 : memref<!tpu.dma_semaphore, #tpu.memory_space<semaphore_mem>>) src(%dma_wait3A_27 : memref<416x128xf32, #tpu.memory_space<hbm>>) dst(%arg8 : memref<416x128xf32, #tpu.memory_space<vmem>>)
      %scan3A_28 = arith.constant 0 : i32
      %scan3A_29 = arith.constant 16 : i32
      %scan3A_30 = arith.addi %scan3A_28, %scan3A_29 : i32
      %scan3A_31 = arith.constant 1 : i32
      scf.for %scan3A_33 = %scan3A_28 to %scan3A_30 step %scan3A_31  : i32 {
        %mul3A_34 = arith.constant 1 : i32
        %mul3A_35 = arith.muli %scan3A_33, %mul3A_34 : i32
        %add3A_36 = arith.constant 0 : i32
        %add3A_37 = arith.addi %add3A_36, %mul3A_35 : i32
        %iota3A = tpu.iota {dimensions = array<i32: 0>} : vector<16xi32>
        %mul3A_38 = arith.constant 0 : i32
        %mul3A_39 = vector.broadcast %mul3A_38 : i32 to vector<16xi32>
        %mul3A_40 = arith.muli %iota3A, %mul3A_39 : vector<16xi32>
        %add3A_41 = vector.broadcast %add3A_37 : i32 to vector<16xi32>
        %add3A_42 = arith.addi %mul3A_40, %add3A_41 : vector<16xi32>
        %mul3A_43 = arith.constant 26 : i32
        %mul3A_44 = arith.muli %add3A_37, %mul3A_43 : i32
        %add3A_45 = arith.constant 0 : i32
        %add3A_46 = arith.addi %mul3A_44, %add3A_45 : i32
        %add3A_47 = vector.broadcast %add3A_46 : i32 to vector<16xi32>
        %add3A_48 = arith.addi %add3A_47, %iota3A : vector<16xi32>
        %min3A = arith.constant 415 : i32
        %min3A_49 = vector.broadcast %min3A : i32 to vector<16xi32>
        %min3A_50 = arith.minsi %add3A_48, %min3A_49 : vector<16xi32>
        %get3A = arith.index_cast %add3A_37 : i32 to index
        %get3A_51 = arith.constant 0 : index
        %get3A_52 = tpu.vector_load %arg7[%get3A, %get3A_51] {strides = array<i32>} : memref<16x32xi32, #tpu.memory_space<vmem>>, vector<16xi32>,
        %mul3A_53 = arith.constant 32 : i32
        %mul3A_54 = vector.broadcast %mul3A_53 : i32 to vector<16xi32>
        %mul3A_55 = arith.muli %iota3A, %mul3A_54 : vector<16xi32>
        %add3A_56 = arith.constant 0 : i32
        %add3A_57 = vector.broadcast %add3A_56 : i32 to vector<16xi32>
        %add3A_58 = arith.addi %add3A_57, %mul3A_55 : vector<16xi32>
        %add3A_59 = arith.constant 0 : i32
        %add3A_60 = vector.broadcast %add3A_59 : i32 to vector<16xi32>
        %add3A_61 = arith.addi %get3A_52, %add3A_60 : vector<16xi32>
        %gather3A = tpu.vector_load_idx %arg8[%min3A_50, %add3A_61] : memref<416x128xf32, #tpu.memory_space<vmem>>[vector<16xi32>, vector<16xi32>], vector<16xf32>,
        %add3A_62 = arith.constant 0 : i32
        %add3A_63 = vector.broadcast %add3A_62 : i32 to vector<16xi32>
        %add3A_64 = arith.addi %add3A_58, %add3A_63 : vector<16xi32>
        tpu.vector_store_idx %arg9[%add3A_42, %add3A_64], %gather3A : memref<16x832xf32, #tpu.memory_space<vmem>>[vector<16xi32>, vector<16xi32>], vector<16xf32>,
        %add3A_65 = arith.constant 1 : i32
        %add3A_66 = vector.broadcast %add3A_65 : i32 to vector<16xi32>
        %add3A_67 = arith.addi %get3A_52, %add3A_66 : vector<16xi32>
        %gather3A_68 = tpu.vector_load_idx %arg8[%min3A_50, %add3A_67] : memref<416x128xf32, #tpu.memory_space<vmem>>[vector<16xi32>, vector<16xi32>], vector<16xf32>,
        %add3A_69 = arith.constant 1 : i32
        %add3A_70 = vector.broadcast %add3A_69 : i32 to vector<16xi32>
        %add3A_71 = arith.addi %add3A_58, %add3A_70 : vector<16xi32>
        tpu.vector_store_idx %arg9[%add3A_42, %add3A_71], %gather3A_68 : memref<16x832xf32, #tpu.memory_space<vmem>>[vector<16xi32>, vector<16xi32>], vector<16xf32>,
        %add3A_72 = arith.constant 2 : i32
        %add3A_73 = vector.broadcast %add3A_72 : i32 to vector<16xi32>
        %add3A_74 = arith.addi %get3A_52, %add3A_73 : vector<16xi32>
        %gather3A_75 = tpu.vector_load_idx %arg8[%min3A_50, %add3A_74] : memref<416x128xf32, #tpu.memory_space<vmem>>[vector<16xi32>, vector<16xi32>], vector<16xf32>,
        %add3A_76 = arith.constant 2 : i32
        %add3A_77 = vector.broadcast %add3A_76 : i32 to vector<16xi32>
        %add3A_78 = arith.addi %add3A_58, %add3A_77 : vector<16xi32>
        tpu.vector_store_idx %arg9[%add3A_42, %add3A_78], %gather3A_75 : memref<16x832xf32, #tpu.memory_space<vmem>>[vector<16xi32>, vector<16xi32>], vector<16xf32>,
        %add3A_79 = arith.constant 3 : i32
        %add3A_80 = vector.broadcast %add3A_79 : i32 to vector<16xi32>
        %add3A_81 = arith.addi %get3A_52, %add3A_80 : vector<16xi32>
        %gather3A_82 = tpu.vector_load_idx %arg8[%min3A_50, %add3A_81] : memref<416x128xf32, #tpu.memory_space<vmem>>[vector<16xi32>, vector<16xi32>], vector<16xf32>,
        %add3A_83 = arith.constant 3 : i32
        %add3A_84 = vector.broadcast %add3A_83 : i32 to vector<16xi32>
        %add3A_85 = arith.addi %add3A_58, %add3A_84 : vector<16xi32>
        tpu.vector_store_idx %arg9[%add3A_42, %add3A_85], %gather3A_82 : memref<16x832xf32, #tpu.memory_space<vmem>>[vector<16xi32>, vector<16xi32>], vector<16xf32>,
        %add3A_86 = arith.constant 4 : i32
        %add3A_87 = vector.broadcast %add3A_86 : i32 to vector<16xi32>
        %add3A_88 = arith.addi %get3A_52, %add3A_87 : vector<16xi32>
        %gather3A_89 = tpu.vector_load_idx %arg8[%min3A_50, %add3A_88] : memref<416x128xf32, #tpu.memory_space<vmem>>[vector<16xi32>, vector<16xi32>], vector<16xf32>,
        %add3A_90 = arith.constant 4 : i32
        %add3A_91 = vector.broadcast %add3A_90 : i32 to vector<16xi32>
        %add3A_92 = arith.addi %add3A_58, %add3A_91 : vector<16xi32>
        tpu.vector_store_idx %arg9[%add3A_42, %add3A_92], %gather3A_89 : memref<16x832xf32, #tpu.memory_space<vmem>>[vector<16xi32>, vector<16xi32>], vector<16xf32>,
        %add3A_93 = arith.constant 5 : i32
        %add3A_94 = vector.broadcast %add3A_93 : i32 to vector<16xi32>
        %add3A_95 = arith.addi %get3A_52, %add3A_94 : vector<16xi32>
        %gather3A_96 = tpu.vector_load_idx %arg8[%min3A_50, %add3A_95] : memref<416x128xf32, #tpu.memory_space<vmem>>[vector<16xi32>, vector<16xi32>], vector<16xf32>,
        %add3A_97 = arith.constant 5 : i32
        %add3A_98 = vector.broadcast %add3A_97 : i32 to vector<16xi32>
        %add3A_99 = arith.addi %add3A_58, %add3A_98 : vector<16xi32>
        tpu.vector_store_idx %arg9[%add3A_42, %add3A_99], %gather3A_96 : memref<16x832xf32, #tpu.memory_space<vmem>>[vector<16xi32>, vector<16xi32>], vector<16xf32>,
        %add3A_100 = arith.constant 6 : i32
        %add3A_101 = vector.broadcast %add3A_100 : i32 to vector<16xi32>
        %add3A_102 = arith.addi %get3A_52, %add3A_101 : vector<16xi32>
        %gather3A_103 = tpu.vector_load_idx %arg8[%min3A_50, %add3A_102] : memref<416x128xf32, #tpu.memory_space<vmem>>[vector<16xi32>, vector<16xi32>], vector<16xf32>,
        %add3A_104 = arith.constant 6 : i32
        %add3A_105 = vector.broadcast %add3A_104 : i32 to vector<16xi32>
        %add3A_106 = arith.addi %add3A_58, %add3A_105 : vector<16xi32>
        tpu.vector_store_idx %arg9[%add3A_42, %add3A_106], %gather3A_103 : memref<16x832xf32, #tpu.memory_space<vmem>>[vector<16xi32>, vector<16xi32>], vector<16xf32>,
        %add3A_107 = arith.constant 7 : i32
        %add3A_108 = vector.broadcast %add3A_107 : i32 to vector<16xi32>
        %add3A_109 = arith.addi %get3A_52, %add3A_108 : vector<16xi32>
        %gather3A_110 = tpu.vector_load_idx %arg8[%min3A_50, %add3A_109] : memref<416x128xf32, #tpu.memory_space<vmem>>[vector<16xi32>, vector<16xi32>], vector<16xf32>,
        %add3A_111 = arith.constant 7 : i32
        %add3A_112 = vector.broadcast %add3A_111 : i32 to vector<16xi32>
        %add3A_113 = arith.addi %add3A_58, %add3A_112 : vector<16xi32>
        tpu.vector_store_idx %arg9[%add3A_42, %add3A_113], %gather3A_110 : memref<16x832xf32, #tpu.memory_space<vmem>>[vector<16xi32>, vector<16xi32>], vector<16xf32>,
        %add3A_114 = arith.constant 8 : i32
        %add3A_115 = vector.broadcast %add3A_114 : i32 to vector<16xi32>
        %add3A_116 = arith.addi %get3A_52, %add3A_115 : vector<16xi32>
        %gather3A_117 = tpu.vector_load_idx %arg8[%min3A_50, %add3A_116] : memref<416x128xf32, #tpu.memory_space<vmem>>[vector<16xi32>, vector<16xi32>], vector<16xf32>,
        %add3A_118 = arith.constant 8 : i32
        %add3A_119 = vector.broadcast %add3A_118 : i32 to vector<16xi32>
        %add3A_120 = arith.addi %add3A_58, %add3A_119 : vector<16xi32>
        tpu.vector_store_idx %arg9[%add3A_42, %add3A_120], %gather3A_117 : memref<16x832xf32, #tpu.memory_space<vmem>>[vector<16xi32>, vector<16xi32>], vector<16xf32>,
        %add3A_121 = arith.constant 9 : i32
        %add3A_122 = vector.broadcast %add3A_121 : i32 to vector<16xi32>
        %add3A_123 = arith.addi %get3A_52, %add3A_122 : vector<16xi32>
        %gather3A_124 = tpu.vector_load_idx %arg8[%min3A_50, %add3A_123] : memref<416x128xf32, #tpu.memory_space<vmem>>[vector<16xi32>, vector<16xi32>], vector<16xf32>,
        %add3A_125 = arith.constant 9 : i32
        %add3A_126 = vector.broadcast %add3A_125 : i32 to vector<16xi32>
        %add3A_127 = arith.addi %add3A_58, %add3A_126 : vector<16xi32>
        tpu.vector_store_idx %arg9[%add3A_42, %add3A_127], %gather3A_124 : memref<16x832xf32, #tpu.memory_space<vmem>>[vector<16xi32>, vector<16xi32>], vector<16xf32>,
        %add3A_128 = arith.constant 10 : i32
        %add3A_129 = vector.broadcast %add3A_128 : i32 to vector<16xi32>
        %add3A_130 = arith.addi %get3A_52, %add3A_129 : vector<16xi32>
        %gather3A_131 = tpu.vector_load_idx %arg8[%min3A_50, %add3A_130] : memref<416x128xf32, #tpu.memory_space<vmem>>[vector<16xi32>, vector<16xi32>], vector<16xf32>,
        %add3A_132 = arith.constant 10 : i32
        %add3A_133 = vector.broadcast %add3A_132 : i32 to vector<16xi32>
        %add3A_134 = arith.addi %add3A_58, %add3A_133 : vector<16xi32>
        tpu.vector_store_idx %arg9[%add3A_42, %add3A_134], %gather3A_131 : memref<16x832xf32, #tpu.memory_space<vmem>>[vector<16xi32>, vector<16xi32>], vector<16xf32>,
        %add3A_135 = arith.constant 11 : i32
        %add3A_136 = vector.broadcast %add3A_135 : i32 to vector<16xi32>
        %add3A_137 = arith.addi %get3A_52, %add3A_136 : vector<16xi32>
        %gather3A_138 = tpu.vector_load_idx %arg8[%min3A_50, %add3A_137] : memref<416x128xf32, #tpu.memory_space<vmem>>[vector<16xi32>, vector<16xi32>], vector<16xf32>,
        %add3A_139 = arith.constant 11 : i32
        %add3A_140 = vector.broadcast %add3A_139 : i32 to vector<16xi32>
        %add3A_141 = arith.addi %add3A_58, %add3A_140 : vector<16xi32>
        tpu.vector_store_idx %arg9[%add3A_42, %add3A_141], %gather3A_138 : memref<16x832xf32, #tpu.memory_space<vmem>>[vector<16xi32>, vector<16xi32>], vector<16xf32>,
        %add3A_142 = arith.constant 12 : i32
        %add3A_143 = vector.broadcast %add3A_142 : i32 to vector<16xi32>
        %add3A_144 = arith.addi %get3A_52, %add3A_143 : vector<16xi32>
        %gather3A_145 = tpu.vector_load_idx %arg8[%min3A_50, %add3A_144] : memref<416x128xf32, #tpu.memory_space<vmem>>[vector<16xi32>, vector<16xi32>], vector<16xf32>,
        %add3A_146 = arith.constant 12 : i32
        %add3A_147 = vector.broadcast %add3A_146 : i32 to vector<16xi32>
        %add3A_148 = arith.addi %add3A_58, %add3A_147 : vector<16xi32>
        tpu.vector_store_idx %arg9[%add3A_42, %add3A_148], %gather3A_145 : memref<16x832xf32, #tpu.memory_space<vmem>>[vector<16xi32>, vector<16xi32>], vector<16xf32>,
        %add3A_149 = arith.constant 13 : i32
        %add3A_150 = vector.broadcast %add3A_149 : i32 to vector<16xi32>
        %add3A_151 = arith.addi %get3A_52, %add3A_150 : vector<16xi32>
        %gather3A_152 = tpu.vector_load_idx %arg8[%min3A_50, %add3A_151] : memref<416x128xf32, #tpu.memory_space<vmem>>[vector<16xi32>, vector<16xi32>], vector<16xf32>,
        %add3A_153 = arith.constant 13 : i32
        %add3A_154 = vector.broadcast %add3A_153 : i32 to vector<16xi32>
        %add3A_155 = arith.addi %add3A_58, %add3A_154 : vector<16xi32>
        tpu.vector_store_idx %arg9[%add3A_42, %add3A_155], %gather3A_152 : memref<16x832xf32, #tpu.memory_space<vmem>>[vector<16xi32>, vector<16xi32>], vector<16xf32>,
        %add3A_156 = arith.constant 14 : i32
        %add3A_157 = vector.broadcast %add3A_156 : i32 to vector<16xi32>
        %add3A_158 = arith.addi %get3A_52, %add3A_157 : vector<16xi32>
        %gather3A_159 = tpu.vector_load_idx %arg8[%min3A_50, %add3A_158] : memref<416x128xf32, #tpu.memory_space<vmem>>[vector<16xi32>, vector<16xi32>], vector<16xf32>,
        %add3A_160 = arith.constant 14 : i32
        %add3A_161 = vector.broadcast %add3A_160 : i32 to vector<16xi32>
        %add3A_162 = arith.addi %add3A_58, %add3A_161 : vector<16xi32>
        tpu.vector_store_idx %arg9[%add3A_42, %add3A_162], %gather3A_159 : memref<16x832xf32, #tpu.memory_space<vmem>>[vector<16xi32>, vector<16xi32>], vector<16xf32>,
        %add3A_163 = arith.constant 15 : i32
        %add3A_164 = vector.broadcast %add3A_163 : i32 to vector<16xi32>
        %add3A_165 = arith.addi %get3A_52, %add3A_164 : vector<16xi32>
        %gather3A_166 = tpu.vector_load_idx %arg8[%min3A_50, %add3A_165] : memref<416x128xf32, #tpu.memory_space<vmem>>[vector<16xi32>, vector<16xi32>], vector<16xf32>,
        %add3A_167 = arith.constant 15 : i32
        %add3A_168 = vector.broadcast %add3A_167 : i32 to vector<16xi32>
        %add3A_169 = arith.addi %add3A_58, %add3A_168 : vector<16xi32>
        tpu.vector_store_idx %arg9[%add3A_42, %add3A_169], %gather3A_166 : memref<16x832xf32, #tpu.memory_space<vmem>>[vector<16xi32>, vector<16xi32>], vector<16xf32>,
        %add3A_170 = arith.constant 16 : i32
        %add3A_171 = vector.broadcast %add3A_170 : i32 to vector<16xi32>
        %add3A_172 = arith.addi %get3A_52, %add3A_171 : vector<16xi32>
        %gather3A_173 = tpu.vector_load_idx %arg8[%min3A_50, %add3A_172] : memref<416x128xf32, #tpu.memory_space<vmem>>[vector<16xi32>, vector<16xi32>], vector<16xf32>,
        %add3A_174 = arith.constant 16 : i32
        %add3A_175 = vector.broadcast %add3A_174 : i32 to vector<16xi32>
        %add3A_176 = arith.addi %add3A_58, %add3A_175 : vector<16xi32>
        tpu.vector_store_idx %arg9[%add3A_42, %add3A_176], %gather3A_173 : memref<16x832xf32, #tpu.memory_space<vmem>>[vector<16xi32>, vector<16xi32>], vector<16xf32>,
        %add3A_177 = arith.constant 17 : i32
        %add3A_178 = vector.broadcast %add3A_177 : i32 to vector<16xi32>
        %add3A_179 = arith.addi %get3A_52, %add3A_178 : vector<16xi32>
        %gather3A_180 = tpu.vector_load_idx %arg8[%min3A_50, %add3A_179] : memref<416x128xf32, #tpu.memory_space<vmem>>[vector<16xi32>, vector<16xi32>], vector<16xf32>,
        %add3A_181 = arith.constant 17 : i32
        %add3A_182 = vector.broadcast %add3A_181 : i32 to vector<16xi32>
        %add3A_183 = arith.addi %add3A_58, %add3A_182 : vector<16xi32>
        tpu.vector_store_idx %arg9[%add3A_42, %add3A_183], %gather3A_180 : memref<16x832xf32, #tpu.memory_space<vmem>>[vector<16xi32>, vector<16xi32>], vector<16xf32>,
        %add3A_184 = arith.constant 18 : i32
        %add3A_185 = vector.broadcast %add3A_184 : i32 to vector<16xi32>
        %add3A_186 = arith.addi %get3A_52, %add3A_185 : vector<16xi32>
        %gather3A_187 = tpu.vector_load_idx %arg8[%min3A_50, %add3A_186] : memref<416x128xf32, #tpu.memory_space<vmem>>[vector<16xi32>, vector<16xi32>], vector<16xf32>,
        %add3A_188 = arith.constant 18 : i32
        %add3A_189 = vector.broadcast %add3A_188 : i32 to vector<16xi32>
        %add3A_190 = arith.addi %add3A_58, %add3A_189 : vector<16xi32>
        tpu.vector_store_idx %arg9[%add3A_42, %add3A_190], %gather3A_187 : memref<16x832xf32, #tpu.memory_space<vmem>>[vector<16xi32>, vector<16xi32>], vector<16xf32>,
        %add3A_191 = arith.constant 19 : i32
        %add3A_192 = vector.broadcast %add3A_191 : i32 to vector<16xi32>
        %add3A_193 = arith.addi %get3A_52, %add3A_192 : vector<16xi32>
        %gather3A_194 = tpu.vector_load_idx %arg8[%min3A_50, %add3A_193] : memref<416x128xf32, #tpu.memory_space<vmem>>[vector<16xi32>, vector<16xi32>], vector<16xf32>,
        %add3A_195 = arith.constant 19 : i32
        %add3A_196 = vector.broadcast %add3A_195 : i32 to vector<16xi32>
        %add3A_197 = arith.addi %add3A_58, %add3A_196 : vector<16xi32>
        tpu.vector_store_idx %arg9[%add3A_42, %add3A_197], %gather3A_194 : memref<16x832xf32, #tpu.memory_space<vmem>>[vector<16xi32>, vector<16xi32>], vector<16xf32>,
        %add3A_198 = arith.constant 20 : i32
        %add3A_199 = vector.broadcast %add3A_198 : i32 to vector<16xi32>
        %add3A_200 = arith.addi %get3A_52, %add3A_199 : vector<16xi32>
        %gather3A_201 = tpu.vector_load_idx %arg8[%min3A_50, %add3A_200] : memref<416x128xf32, #tpu.memory_space<vmem>>[vector<16xi32>, vector<16xi32>], vector<16xf32>,
        %add3A_202 = arith.constant 20 : i32
        %add3A_203 = vector.broadcast %add3A_202 : i32 to vector<16xi32>
        %add3A_204 = arith.addi %add3A_58, %add3A_203 : vector<16xi32>
        tpu.vector_store_idx %arg9[%add3A_42, %add3A_204], %gather3A_201 : memref<16x832xf32, #tpu.memory_space<vmem>>[vector<16xi32>, vector<16xi32>], vector<16xf32>,
        %add3A_205 = arith.constant 21 : i32
        %add3A_206 = vector.broadcast %add3A_205 : i32 to vector<16xi32>
        %add3A_207 = arith.addi %get3A_52, %add3A_206 : vector<16xi32>
        %gather3A_208 = tpu.vector_load_idx %arg8[%min3A_50, %add3A_207] : memref<416x128xf32, #tpu.memory_space<vmem>>[vector<16xi32>, vector<16xi32>], vector<16xf32>,
        %add3A_209 = arith.constant 21 : i32
        %add3A_210 = vector.broadcast %add3A_209 : i32 to vector<16xi32>
        %add3A_211 = arith.addi %add3A_58, %add3A_210 : vector<16xi32>
        tpu.vector_store_idx %arg9[%add3A_42, %add3A_211], %gather3A_208 : memref<16x832xf32, #tpu.memory_space<vmem>>[vector<16xi32>, vector<16xi32>], vector<16xf32>,
        %add3A_212 = arith.constant 22 : i32
        %add3A_213 = vector.broadcast %add3A_212 : i32 to vector<16xi32>
        %add3A_214 = arith.addi %get3A_52, %add3A_213 : vector<16xi32>
        %gather3A_215 = tpu.vector_load_idx %arg8[%min3A_50, %add3A_214] : memref<416x128xf32, #tpu.memory_space<vmem>>[vector<16xi32>, vector<16xi32>], vector<16xf32>,
        %add3A_216 = arith.constant 22 : i32
        %add3A_217 = vector.broadcast %add3A_216 : i32 to vector<16xi32>
        %add3A_218 = arith.addi %add3A_58, %add3A_217 : vector<16xi32>
        tpu.vector_store_idx %arg9[%add3A_42, %add3A_218], %gather3A_215 : memref<16x832xf32, #tpu.memory_space<vmem>>[vector<16xi32>, vector<16xi32>], vector<16xf32>,
        %add3A_219 = arith.constant 23 : i32
        %add3A_220 = vector.broadcast %add3A_219 : i32 to vector<16xi32>
        %add3A_221 = arith.addi %get3A_52, %add3A_220 : vector<16xi32>
        %gather3A_222 = tpu.vector_load_idx %arg8[%min3A_50, %add3A_221] : memref<416x128xf32, #tpu.memory_space<vmem>>[vector<16xi32>, vector<16xi32>], vector<16xf32>,
        %add3A_223 = arith.constant 23 : i32
        %add3A_224 = vector.broadcast %add3A_223 : i32 to vector<16xi32>
        %add3A_225 = arith.addi %add3A_58, %add3A_224 : vector<16xi32>
        tpu.vector_store_idx %arg9[%add3A_42, %add3A_225], %gather3A_222 : memref<16x832xf32, #tpu.memory_space<vmem>>[vector<16xi32>, vector<16xi32>], vector<16xf32>,
        %add3A_226 = arith.constant 24 : i32
        %add3A_227 = vector.broadcast %add3A_226 : i32 to vector<16xi32>
        %add3A_228 = arith.addi %get3A_52, %add3A_227 : vector<16xi32>
        %gather3A_229 = tpu.vector_load_idx %arg8[%min3A_50, %add3A_228] : memref<416x128xf32, #tpu.memory_space<vmem>>[vector<16xi32>, vector<16xi32>], vector<16xf32>,
        %add3A_230 = arith.constant 24 : i32
        %add3A_231 = vector.broadcast %add3A_230 : i32 to vector<16xi32>
        %add3A_232 = arith.addi %add3A_58, %add3A_231 : vector<16xi32>
        tpu.vector_store_idx %arg9[%add3A_42, %add3A_232], %gather3A_229 : memref<16x832xf32, #tpu.memory_space<vmem>>[vector<16xi32>, vector<16xi32>], vector<16xf32>,
        %add3A_233 = arith.constant 25 : i32
        %add3A_234 = vector.broadcast %add3A_233 : i32 to vector<16xi32>
        %add3A_235 = arith.addi %get3A_52, %add3A_234 : vector<16xi32>
        %gather3A_236 = tpu.vector_load_idx %arg8[%min3A_50, %add3A_235] : memref<416x128xf32, #tpu.memory_space<vmem>>[vector<16xi32>, vector<16xi32>], vector<16xf32>,
        %add3A_237 = arith.constant 25 : i32
        %add3A_238 = vector.broadcast %add3A_237 : i32 to vector<16xi32>
        %add3A_239 = arith.addi %add3A_58, %add3A_238 : vector<16xi32>
        tpu.vector_store_idx %arg9[%add3A_42, %add3A_239], %gather3A_236 : memref<16x832xf32, #tpu.memory_space<vmem>>[vector<16xi32>, vector<16xi32>], vector<16xf32>,
        %add3A_240 = arith.constant 26 : i32
        %add3A_241 = vector.broadcast %add3A_240 : i32 to vector<16xi32>
        %add3A_242 = arith.addi %get3A_52, %add3A_241 : vector<16xi32>
        %gather3A_243 = tpu.vector_load_idx %arg8[%min3A_50, %add3A_242] : memref<416x128xf32, #tpu.memory_space<vmem>>[vector<16xi32>, vector<16xi32>], vector<16xf32>,
        %add3A_244 = arith.constant 26 : i32
        %add3A_245 = vector.broadcast %add3A_244 : i32 to vector<16xi32>
        %add3A_246 = arith.addi %add3A_58, %add3A_245 : vector<16xi32>
        tpu.vector_store_idx %arg9[%add3A_42, %add3A_246], %gather3A_243 : memref<16x832xf32, #tpu.memory_space<vmem>>[vector<16xi32>, vector<16xi32>], vector<16xf32>,
        %add3A_247 = arith.constant 27 : i32
        %add3A_248 = vector.broadcast %add3A_247 : i32 to vector<16xi32>
        %add3A_249 = arith.addi %get3A_52, %add3A_248 : vector<16xi32>
        %gather3A_250 = tpu.vector_load_idx %arg8[%min3A_50, %add3A_249] : memref<416x128xf32, #tpu.memory_space<vmem>>[vector<16xi32>, vector<16xi32>], vector<16xf32>,
        %add3A_251 = arith.constant 27 : i32
        %add3A_252 = vector.broadcast %add3A_251 : i32 to vector<16xi32>
        %add3A_253 = arith.addi %add3A_58, %add3A_252 : vector<16xi32>
        tpu.vector_store_idx %arg9[%add3A_42, %add3A_253], %gather3A_250 : memref<16x832xf32, #tpu.memory_space<vmem>>[vector<16xi32>, vector<16xi32>], vector<16xf32>,
        %add3A_254 = arith.constant 28 : i32
        %add3A_255 = vector.broadcast %add3A_254 : i32 to vector<16xi32>
        %add3A_256 = arith.addi %get3A_52, %add3A_255 : vector<16xi32>
        %gather3A_257 = tpu.vector_load_idx %arg8[%min3A_50, %add3A_256] : memref<416x128xf32, #tpu.memory_space<vmem>>[vector<16xi32>, vector<16xi32>], vector<16xf32>,
        %add3A_258 = arith.constant 28 : i32
        %add3A_259 = vector.broadcast %add3A_258 : i32 to vector<16xi32>
        %add3A_260 = arith.addi %add3A_58, %add3A_259 : vector<16xi32>
        tpu.vector_store_idx %arg9[%add3A_42, %add3A_260], %gather3A_257 : memref<16x832xf32, #tpu.memory_space<vmem>>[vector<16xi32>, vector<16xi32>], vector<16xf32>,
        %add3A_261 = arith.constant 29 : i32
        %add3A_262 = vector.broadcast %add3A_261 : i32 to vector<16xi32>
        %add3A_263 = arith.addi %get3A_52, %add3A_262 : vector<16xi32>
        %gather3A_264 = tpu.vector_load_idx %arg8[%min3A_50, %add3A_263] : memref<416x128xf32, #tpu.memory_space<vmem>>[vector<16xi32>, vector<16xi32>], vector<16xf32>,
        %add3A_265 = arith.constant 29 : i32
        %add3A_266 = vector.broadcast %add3A_265 : i32 to vector<16xi32>
        %add3A_267 = arith.addi %add3A_58, %add3A_266 : vector<16xi32>
        tpu.vector_store_idx %arg9[%add3A_42, %add3A_267], %gather3A_264 : memref<16x832xf32, #tpu.memory_space<vmem>>[vector<16xi32>, vector<16xi32>], vector<16xf32>,
        %add3A_268 = arith.constant 30 : i32
        %add3A_269 = vector.broadcast %add3A_268 : i32 to vector<16xi32>
        %add3A_270 = arith.addi %get3A_52, %add3A_269 : vector<16xi32>
        %gather3A_271 = tpu.vector_load_idx %arg8[%min3A_50, %add3A_270] : memref<416x128xf32, #tpu.memory_space<vmem>>[vector<16xi32>, vector<16xi32>], vector<16xf32>,
        %add3A_272 = arith.constant 30 : i32
        %add3A_273 = vector.broadcast %add3A_272 : i32 to vector<16xi32>
        %add3A_274 = arith.addi %add3A_58, %add3A_273 : vector<16xi32>
        tpu.vector_store_idx %arg9[%add3A_42, %add3A_274], %gather3A_271 : memref<16x832xf32, #tpu.memory_space<vmem>>[vector<16xi32>, vector<16xi32>], vector<16xf32>,
        %add3A_275 = arith.constant 31 : i32
        %add3A_276 = vector.broadcast %add3A_275 : i32 to vector<16xi32>
        %add3A_277 = arith.addi %get3A_52, %add3A_276 : vector<16xi32>
        %gather3A_278 = tpu.vector_load_idx %arg8[%min3A_50, %add3A_277] : memref<416x128xf32, #tpu.memory_space<vmem>>[vector<16xi32>, vector<16xi32>], vector<16xf32>,
        %add3A_279 = arith.constant 31 : i32
        %add3A_280 = vector.broadcast %add3A_279 : i32 to vector<16xi32>
        %add3A_281 = arith.addi %add3A_58, %add3A_280 : vector<16xi32>
        tpu.vector_store_idx %arg9[%add3A_42, %add3A_281], %gather3A_278 : memref<16x832xf32, #tpu.memory_space<vmem>>[vector<16xi32>, vector<16xi32>], vector<16xf32>,
        %mul3A_282 = arith.constant 26 : i32
        %mul3A_283 = arith.muli %add3A_37, %mul3A_282 : i32
        %add3A_284 = arith.constant 16 : i32
        %add3A_285 = arith.addi %mul3A_283, %add3A_284 : i32
        %add3A_286 = vector.broadcast %add3A_285 : i32 to vector<16xi32>
        %add3A_287 = arith.addi %add3A_286, %iota3A : vector<16xi32>
        %min3A_288 = arith.constant 415 : i32
        %min3A_289 = vector.broadcast %min3A_288 : i32 to vector<16xi32>
        %min3A_290 = arith.minsi %add3A_287, %min3A_289 : vector<16xi32>
        %get3A_291 = arith.index_cast %add3A_37 : i32 to index
        %get3A_292 = arith.constant 16 : index
        %get3A_293 = tpu.vector_load %arg7[%get3A_291, %get3A_292] {strides = array<i32>} : memref<16x32xi32, #tpu.memory_space<vmem>>, vector<16xi32>,
        %mul3A_294 = arith.constant 32 : i32
        %mul3A_295 = vector.broadcast %mul3A_294 : i32 to vector<16xi32>
        %mul3A_296 = arith.muli %iota3A, %mul3A_295 : vector<16xi32>
        %add3A_297 = arith.constant 512 : i32
        %add3A_298 = vector.broadcast %add3A_297 : i32 to vector<16xi32>
        %add3A_299 = arith.addi %add3A_298, %mul3A_296 : vector<16xi32>
        %lt3A = arith.constant 10 : i32
        %lt3A_300 = vector.broadcast %lt3A : i32 to vector<16xi32>
        %lt3A_301 = arith.cmpi slt, %iota3A, %lt3A_300 : vector<16xi32>
        %add3A_302 = arith.constant 0 : i32
        %add3A_303 = vector.broadcast %add3A_302 : i32 to vector<16xi32>
        %add3A_304 = arith.addi %get3A_293, %add3A_303 : vector<16xi32>
        %gather3A_305 = tpu.vector_load_idx %arg8[%min3A_290, %add3A_304] : memref<416x128xf32, #tpu.memory_space<vmem>>[vector<16xi32>, vector<16xi32>], vector<16xf32>,
        %add3A_306 = arith.constant 0 : i32
        %add3A_307 = vector.broadcast %add3A_306 : i32 to vector<16xi32>
        %add3A_308 = arith.addi %add3A_299, %add3A_307 : vector<16xi32>
        tpu.vector_store_idx %arg9[%add3A_42, %add3A_308], %gather3A_305 masked %lt3A_301 : memref<16x832xf32, #tpu.memory_space<vmem>>[vector<16xi32>, vector<16xi32>], vector<16xf32>, vector<16xi1>
        %add3A_309 = arith.constant 1 : i32
        %add3A_310 = vector.broadcast %add3A_309 : i32 to vector<16xi32>
        %add3A_311 = arith.addi %get3A_293, %add3A_310 : vector<16xi32>
        %gather3A_312 = tpu.vector_load_idx %arg8[%min3A_290, %add3A_311] : memref<416x128xf32, #tpu.memory_space<vmem>>[vector<16xi32>, vector<16xi32>], vector<16xf32>,
        %add3A_313 = arith.constant 1 : i32
        %add3A_314 = vector.broadcast %add3A_313 : i32 to vector<16xi32>
        %add3A_315 = arith.addi %add3A_299, %add3A_314 : vector<16xi32>
        tpu.vector_store_idx %arg9[%add3A_42, %add3A_315], %gather3A_312 masked %lt3A_301 : memref<16x832xf32, #tpu.memory_space<vmem>>[vector<16xi32>, vector<16xi32>], vector<16xf32>, vector<16xi1>
        %add3A_316 = arith.constant 2 : i32
        %add3A_317 = vector.broadcast %add3A_316 : i32 to vector<16xi32>
        %add3A_318 = arith.addi %get3A_293, %add3A_317 : vector<16xi32>
        %gather3A_319 = tpu.vector_load_idx %arg8[%min3A_290, %add3A_318] : memref<416x128xf32, #tpu.memory_space<vmem>>[vector<16xi32>, vector<16xi32>], vector<16xf32>,
        %add3A_320 = arith.constant 2 : i32
        %add3A_321 = vector.broadcast %add3A_320 : i32 to vector<16xi32>
        %add3A_322 = arith.addi %add3A_299, %add3A_321 : vector<16xi32>
        tpu.vector_store_idx %arg9[%add3A_42, %add3A_322], %gather3A_319 masked %lt3A_301 : memref<16x832xf32, #tpu.memory_space<vmem>>[vector<16xi32>, vector<16xi32>], vector<16xf32>, vector<16xi1>
        %add3A_323 = arith.constant 3 : i32
        %add3A_324 = vector.broadcast %add3A_323 : i32 to vector<16xi32>
        %add3A_325 = arith.addi %get3A_293, %add3A_324 : vector<16xi32>
        %gather3A_326 = tpu.vector_load_idx %arg8[%min3A_290, %add3A_325] : memref<416x128xf32, #tpu.memory_space<vmem>>[vector<16xi32>, vector<16xi32>], vector<16xf32>,
        %add3A_327 = arith.constant 3 : i32
        %add3A_328 = vector.broadcast %add3A_327 : i32 to vector<16xi32>
        %add3A_329 = arith.addi %add3A_299, %add3A_328 : vector<16xi32>
        tpu.vector_store_idx %arg9[%add3A_42, %add3A_329], %gather3A_326 masked %lt3A_301 : memref<16x832xf32, #tpu.memory_space<vmem>>[vector<16xi32>, vector<16xi32>], vector<16xf32>, vector<16xi1>
        %add3A_330 = arith.constant 4 : i32
        %add3A_331 = vector.broadcast %add3A_330 : i32 to vector<16xi32>
        %add3A_332 = arith.addi %get3A_293, %add3A_331 : vector<16xi32>
        %gather3A_333 = tpu.vector_load_idx %arg8[%min3A_290, %add3A_332] : memref<416x128xf32, #tpu.memory_space<vmem>>[vector<16xi32>, vector<16xi32>], vector<16xf32>,
        %add3A_334 = arith.constant 4 : i32
        %add3A_335 = vector.broadcast %add3A_334 : i32 to vector<16xi32>
        %add3A_336 = arith.addi %add3A_299, %add3A_335 : vector<16xi32>
        tpu.vector_store_idx %arg9[%add3A_42, %add3A_336], %gather3A_333 masked %lt3A_301 : memref<16x832xf32, #tpu.memory_space<vmem>>[vector<16xi32>, vector<16xi32>], vector<16xf32>, vector<16xi1>
        %add3A_337 = arith.constant 5 : i32
        %add3A_338 = vector.broadcast %add3A_337 : i32 to vector<16xi32>
        %add3A_339 = arith.addi %get3A_293, %add3A_338 : vector<16xi32>
        %gather3A_340 = tpu.vector_load_idx %arg8[%min3A_290, %add3A_339] : memref<416x128xf32, #tpu.memory_space<vmem>>[vector<16xi32>, vector<16xi32>], vector<16xf32>,
        %add3A_341 = arith.constant 5 : i32
        %add3A_342 = vector.broadcast %add3A_341 : i32 to vector<16xi32>
        %add3A_343 = arith.addi %add3A_299, %add3A_342 : vector<16xi32>
        tpu.vector_store_idx %arg9[%add3A_42, %add3A_343], %gather3A_340 masked %lt3A_301 : memref<16x832xf32, #tpu.memory_space<vmem>>[vector<16xi32>, vector<16xi32>], vector<16xf32>, vector<16xi1>
        %add3A_344 = arith.constant 6 : i32
        %add3A_345 = vector.broadcast %add3A_344 : i32 to vector<16xi32>
        %add3A_346 = arith.addi %get3A_293, %add3A_345 : vector<16xi32>
        %gather3A_347 = tpu.vector_load_idx %arg8[%min3A_290, %add3A_346] : memref<416x128xf32, #tpu.memory_space<vmem>>[vector<16xi32>, vector<16xi32>], vector<16xf32>,
        %add3A_348 = arith.constant 6 : i32
        %add3A_349 = vector.broadcast %add3A_348 : i32 to vector<16xi32>
        %add3A_350 = arith.addi %add3A_299, %add3A_349 : vector<16xi32>
        tpu.vector_store_idx %arg9[%add3A_42, %add3A_350], %gather3A_347 masked %lt3A_301 : memref<16x832xf32, #tpu.memory_space<vmem>>[vector<16xi32>, vector<16xi32>], vector<16xf32>, vector<16xi1>
        %add3A_351 = arith.constant 7 : i32
        %add3A_352 = vector.broadcast %add3A_351 : i32 to vector<16xi32>
        %add3A_353 = arith.addi %get3A_293, %add3A_352 : vector<16xi32>
        %gather3A_354 = tpu.vector_load_idx %arg8[%min3A_290, %add3A_353] : memref<416x128xf32, #tpu.memory_space<vmem>>[vector<16xi32>, vector<16xi32>], vector<16xf32>,
        %add3A_355 = arith.constant 7 : i32
        %add3A_356 = vector.broadcast %add3A_355 : i32 to vector<16xi32>
        %add3A_357 = arith.addi %add3A_299, %add3A_356 : vector<16xi32>
        tpu.vector_store_idx %arg9[%add3A_42, %add3A_357], %gather3A_354 masked %lt3A_301 : memref<16x832xf32, #tpu.memory_space<vmem>>[vector<16xi32>, vector<16xi32>], vector<16xf32>, vector<16xi1>
        %add3A_358 = arith.constant 8 : i32
        %add3A_359 = vector.broadcast %add3A_358 : i32 to vector<16xi32>
        %add3A_360 = arith.addi %get3A_293, %add3A_359 : vector<16xi32>
        %gather3A_361 = tpu.vector_load_idx %arg8[%min3A_290, %add3A_360] : memref<416x128xf32, #tpu.memory_space<vmem>>[vector<16xi32>, vector<16xi32>], vector<16xf32>,
        %add3A_362 = arith.constant 8 : i32
        %add3A_363 = vector.broadcast %add3A_362 : i32 to vector<16xi32>
        %add3A_364 = arith.addi %add3A_299, %add3A_363 : vector<16xi32>
        tpu.vector_store_idx %arg9[%add3A_42, %add3A_364], %gather3A_361 masked %lt3A_301 : memref<16x832xf32, #tpu.memory_space<vmem>>[vector<16xi32>, vector<16xi32>], vector<16xf32>, vector<16xi1>
        %add3A_365 = arith.constant 9 : i32
        %add3A_366 = vector.broadcast %add3A_365 : i32 to vector<16xi32>
        %add3A_367 = arith.addi %get3A_293, %add3A_366 : vector<16xi32>
        %gather3A_368 = tpu.vector_load_idx %arg8[%min3A_290, %add3A_367] : memref<416x128xf32, #tpu.memory_space<vmem>>[vector<16xi32>, vector<16xi32>], vector<16xf32>,
        %add3A_369 = arith.constant 9 : i32
        %add3A_370 = vector.broadcast %add3A_369 : i32 to vector<16xi32>
        %add3A_371 = arith.addi %add3A_299, %add3A_370 : vector<16xi32>
        tpu.vector_store_idx %arg9[%add3A_42, %add3A_371], %gather3A_368 masked %lt3A_301 : memref<16x832xf32, #tpu.memory_space<vmem>>[vector<16xi32>, vector<16xi32>], vector<16xf32>, vector<16xi1>
        %add3A_372 = arith.constant 10 : i32
        %add3A_373 = vector.broadcast %add3A_372 : i32 to vector<16xi32>
        %add3A_374 = arith.addi %get3A_293, %add3A_373 : vector<16xi32>
        %gather3A_375 = tpu.vector_load_idx %arg8[%min3A_290, %add3A_374] : memref<416x128xf32, #tpu.memory_space<vmem>>[vector<16xi32>, vector<16xi32>], vector<16xf32>,
        %add3A_376 = arith.constant 10 : i32
        %add3A_377 = vector.broadcast %add3A_376 : i32 to vector<16xi32>
        %add3A_378 = arith.addi %add3A_299, %add3A_377 : vector<16xi32>
        tpu.vector_store_idx %arg9[%add3A_42, %add3A_378], %gather3A_375 masked %lt3A_301 : memref<16x832xf32, #tpu.memory_space<vmem>>[vector<16xi32>, vector<16xi32>], vector<16xf32>, vector<16xi1>
        %add3A_379 = arith.constant 11 : i32
        %add3A_380 = vector.broadcast %add3A_379 : i32 to vector<16xi32>
        %add3A_381 = arith.addi %get3A_293, %add3A_380 : vector<16xi32>
        %gather3A_382 = tpu.vector_load_idx %arg8[%min3A_290, %add3A_381] : memref<416x128xf32, #tpu.memory_space<vmem>>[vector<16xi32>, vector<16xi32>], vector<16xf32>,
        %add3A_383 = arith.constant 11 : i32
        %add3A_384 = vector.broadcast %add3A_383 : i32 to vector<16xi32>
        %add3A_385 = arith.addi %add3A_299, %add3A_384 : vector<16xi32>
        tpu.vector_store_idx %arg9[%add3A_42, %add3A_385], %gather3A_382 masked %lt3A_301 : memref<16x832xf32, #tpu.memory_space<vmem>>[vector<16xi32>, vector<16xi32>], vector<16xf32>, vector<16xi1>
        %add3A_386 = arith.constant 12 : i32
        %add3A_387 = vector.broadcast %add3A_386 : i32 to vector<16xi32>
        %add3A_388 = arith.addi %get3A_293, %add3A_387 : vector<16xi32>
        %gather3A_389 = tpu.vector_load_idx %arg8[%min3A_290, %add3A_388] : memref<416x128xf32, #tpu.memory_space<vmem>>[vector<16xi32>, vector<16xi32>], vector<16xf32>,
        %add3A_390 = arith.constant 12 : i32
        %add3A_391 = vector.broadcast %add3A_390 : i32 to vector<16xi32>
        %add3A_392 = arith.addi %add3A_299, %add3A_391 : vector<16xi32>
        tpu.vector_store_idx %arg9[%add3A_42, %add3A_392], %gather3A_389 masked %lt3A_301 : memref<16x832xf32, #tpu.memory_space<vmem>>[vector<16xi32>, vector<16xi32>], vector<16xf32>, vector<16xi1>
        %add3A_393 = arith.constant 13 : i32
        %add3A_394 = vector.broadcast %add3A_393 : i32 to vector<16xi32>
        %add3A_395 = arith.addi %get3A_293, %add3A_394 : vector<16xi32>
        %gather3A_396 = tpu.vector_load_idx %arg8[%min3A_290, %add3A_395] : memref<416x128xf32, #tpu.memory_space<vmem>>[vector<16xi32>, vector<16xi32>], vector<16xf32>,
        %add3A_397 = arith.constant 13 : i32
        %add3A_398 = vector.broadcast %add3A_397 : i32 to vector<16xi32>
        %add3A_399 = arith.addi %add3A_299, %add3A_398 : vector<16xi32>
        tpu.vector_store_idx %arg9[%add3A_42, %add3A_399], %gather3A_396 masked %lt3A_301 : memref<16x832xf32, #tpu.memory_space<vmem>>[vector<16xi32>, vector<16xi32>], vector<16xf32>, vector<16xi1>
        %add3A_400 = arith.constant 14 : i32
        %add3A_401 = vector.broadcast %add3A_400 : i32 to vector<16xi32>
        %add3A_402 = arith.addi %get3A_293, %add3A_401 : vector<16xi32>
        %gather3A_403 = tpu.vector_load_idx %arg8[%min3A_290, %add3A_402] : memref<416x128xf32, #tpu.memory_space<vmem>>[vector<16xi32>, vector<16xi32>], vector<16xf32>,
        %add3A_404 = arith.constant 14 : i32
        %add3A_405 = vector.broadcast %add3A_404 : i32 to vector<16xi32>
        %add3A_406 = arith.addi %add3A_299, %add3A_405 : vector<16xi32>
        tpu.vector_store_idx %arg9[%add3A_42, %add3A_406], %gather3A_403 masked %lt3A_301 : memref<16x832xf32, #tpu.memory_space<vmem>>[vector<16xi32>, vector<16xi32>], vector<16xf32>, vector<16xi1>
        %add3A_407 = arith.constant 15 : i32
        %add3A_408 = vector.broadcast %add3A_407 : i32 to vector<16xi32>
        %add3A_409 = arith.addi %get3A_293, %add3A_408 : vector<16xi32>
        %gather3A_410 = tpu.vector_load_idx %arg8[%min3A_290, %add3A_409] : memref<416x128xf32, #tpu.memory_space<vmem>>[vector<16xi32>, vector<16xi32>], vector<16xf32>,
        %add3A_411 = arith.constant 15 : i32
        %add3A_412 = vector.broadcast %add3A_411 : i32 to vector<16xi32>
        %add3A_413 = arith.addi %add3A_299, %add3A_412 : vector<16xi32>
        tpu.vector_store_idx %arg9[%add3A_42, %add3A_413], %gather3A_410 masked %lt3A_301 : memref<16x832xf32, #tpu.memory_space<vmem>>[vector<16xi32>, vector<16xi32>], vector<16xf32>, vector<16xi1>
        %add3A_414 = arith.constant 16 : i32
        %add3A_415 = vector.broadcast %add3A_414 : i32 to vector<16xi32>
        %add3A_416 = arith.addi %get3A_293, %add3A_415 : vector<16xi32>
        %gather3A_417 = tpu.vector_load_idx %arg8[%min3A_290, %add3A_416] : memref<416x128xf32, #tpu.memory_space<vmem>>[vector<16xi32>, vector<16xi32>], vector<16xf32>,
        %add3A_418 = arith.constant 16 : i32
        %add3A_419 = vector.broadcast %add3A_418 : i32 to vector<16xi32>
        %add3A_420 = arith.addi %add3A_299, %add3A_419 : vector<16xi32>
        tpu.vector_store_idx %arg9[%add3A_42, %add3A_420], %gather3A_417 masked %lt3A_301 : memref<16x832xf32, #tpu.memory_space<vmem>>[vector<16xi32>, vector<16xi32>], vector<16xf32>, vector<16xi1>
        %add3A_421 = arith.constant 17 : i32
        %add3A_422 = vector.broadcast %add3A_421 : i32 to vector<16xi32>
        %add3A_423 = arith.addi %get3A_293, %add3A_422 : vector<16xi32>
        %gather3A_424 = tpu.vector_load_idx %arg8[%min3A_290, %add3A_423] : memref<416x128xf32, #tpu.memory_space<vmem>>[vector<16xi32>, vector<16xi32>], vector<16xf32>,
        %add3A_425 = arith.constant 17 : i32
        %add3A_426 = vector.broadcast %add3A_425 : i32 to vector<16xi32>
        %add3A_427 = arith.addi %add3A_299, %add3A_426 : vector<16xi32>
        tpu.vector_store_idx %arg9[%add3A_42, %add3A_427], %gather3A_424 masked %lt3A_301 : memref<16x832xf32, #tpu.memory_space<vmem>>[vector<16xi32>, vector<16xi32>], vector<16xf32>, vector<16xi1>
        %add3A_428 = arith.constant 18 : i32
        %add3A_429 = vector.broadcast %add3A_428 : i32 to vector<16xi32>
        %add3A_430 = arith.addi %get3A_293, %add3A_429 : vector<16xi32>
        %gather3A_431 = tpu.vector_load_idx %arg8[%min3A_290, %add3A_430] : memref<416x128xf32, #tpu.memory_space<vmem>>[vector<16xi32>, vector<16xi32>], vector<16xf32>,
        %add3A_432 = arith.constant 18 : i32
        %add3A_433 = vector.broadcast %add3A_432 : i32 to vector<16xi32>
        %add3A_434 = arith.addi %add3A_299, %add3A_433 : vector<16xi32>
        tpu.vector_store_idx %arg9[%add3A_42, %add3A_434], %gather3A_431 masked %lt3A_301 : memref<16x832xf32, #tpu.memory_space<vmem>>[vector<16xi32>, vector<16xi32>], vector<16xf32>, vector<16xi1>
        %add3A_435 = arith.constant 19 : i32
        %add3A_436 = vector.broadcast %add3A_435 : i32 to vector<16xi32>
        %add3A_437 = arith.addi %get3A_293, %add3A_436 : vector<16xi32>
        %gather3A_438 = tpu.vector_load_idx %arg8[%min3A_290, %add3A_437] : memref<416x128xf32, #tpu.memory_space<vmem>>[vector<16xi32>, vector<16xi32>], vector<16xf32>,
        %add3A_439 = arith.constant 19 : i32
        %add3A_440 = vector.broadcast %add3A_439 : i32 to vector<16xi32>
        %add3A_441 = arith.addi %add3A_299, %add3A_440 : vector<16xi32>
        tpu.vector_store_idx %arg9[%add3A_42, %add3A_441], %gather3A_438 masked %lt3A_301 : memref<16x832xf32, #tpu.memory_space<vmem>>[vector<16xi32>, vector<16xi32>], vector<16xf32>, vector<16xi1>
        %add3A_442 = arith.constant 20 : i32
        %add3A_443 = vector.broadcast %add3A_442 : i32 to vector<16xi32>
        %add3A_444 = arith.addi %get3A_293, %add3A_443 : vector<16xi32>
        %gather3A_445 = tpu.vector_load_idx %arg8[%min3A_290, %add3A_444] : memref<416x128xf32, #tpu.memory_space<vmem>>[vector<16xi32>, vector<16xi32>], vector<16xf32>,
        %add3A_446 = arith.constant 20 : i32
        %add3A_447 = vector.broadcast %add3A_446 : i32 to vector<16xi32>
        %add3A_448 = arith.addi %add3A_299, %add3A_447 : vector<16xi32>
        tpu.vector_store_idx %arg9[%add3A_42, %add3A_448], %gather3A_445 masked %lt3A_301 : memref<16x832xf32, #tpu.memory_space<vmem>>[vector<16xi32>, vector<16xi32>], vector<16xf32>, vector<16xi1>
        %add3A_449 = arith.constant 21 : i32
        %add3A_450 = vector.broadcast %add3A_449 : i32 to vector<16xi32>
        %add3A_451 = arith.addi %get3A_293, %add3A_450 : vector<16xi32>
        %gather3A_452 = tpu.vector_load_idx %arg8[%min3A_290, %add3A_451] : memref<416x128xf32, #tpu.memory_space<vmem>>[vector<16xi32>, vector<16xi32>], vector<16xf32>,
        %add3A_453 = arith.constant 21 : i32
        %add3A_454 = vector.broadcast %add3A_453 : i32 to vector<16xi32>
        %add3A_455 = arith.addi %add3A_299, %add3A_454 : vector<16xi32>
        tpu.vector_store_idx %arg9[%add3A_42, %add3A_455], %gather3A_452 masked %lt3A_301 : memref<16x832xf32, #tpu.memory_space<vmem>>[vector<16xi32>, vector<16xi32>], vector<16xf32>, vector<16xi1>
        %add3A_456 = arith.constant 22 : i32
        %add3A_457 = vector.broadcast %add3A_456 : i32 to vector<16xi32>
        %add3A_458 = arith.addi %get3A_293, %add3A_457 : vector<16xi32>
        %gather3A_459 = tpu.vector_load_idx %arg8[%min3A_290, %add3A_458] : memref<416x128xf32, #tpu.memory_space<vmem>>[vector<16xi32>, vector<16xi32>], vector<16xf32>,
        %add3A_460 = arith.constant 22 : i32
        %add3A_461 = vector.broadcast %add3A_460 : i32 to vector<16xi32>
        %add3A_462 = arith.addi %add3A_299, %add3A_461 : vector<16xi32>
        tpu.vector_store_idx %arg9[%add3A_42, %add3A_462], %gather3A_459 masked %lt3A_301 : memref<16x832xf32, #tpu.memory_space<vmem>>[vector<16xi32>, vector<16xi32>], vector<16xf32>, vector<16xi1>
        %add3A_463 = arith.constant 23 : i32
        %add3A_464 = vector.broadcast %add3A_463 : i32 to vector<16xi32>
        %add3A_465 = arith.addi %get3A_293, %add3A_464 : vector<16xi32>
        %gather3A_466 = tpu.vector_load_idx %arg8[%min3A_290, %add3A_465] : memref<416x128xf32, #tpu.memory_space<vmem>>[vector<16xi32>, vector<16xi32>], vector<16xf32>,
        %add3A_467 = arith.constant 23 : i32
        %add3A_468 = vector.broadcast %add3A_467 : i32 to vector<16xi32>
        %add3A_469 = arith.addi %add3A_299, %add3A_468 : vector<16xi32>
        tpu.vector_store_idx %arg9[%add3A_42, %add3A_469], %gather3A_466 masked %lt3A_301 : memref<16x832xf32, #tpu.memory_space<vmem>>[vector<16xi32>, vector<16xi32>], vector<16xf32>, vector<16xi1>
        %add3A_470 = arith.constant 24 : i32
        %add3A_471 = vector.broadcast %add3A_470 : i32 to vector<16xi32>
        %add3A_472 = arith.addi %get3A_293, %add3A_471 : vector<16xi32>
        %gather3A_473 = tpu.vector_load_idx %arg8[%min3A_290, %add3A_472] : memref<416x128xf32, #tpu.memory_space<vmem>>[vector<16xi32>, vector<16xi32>], vector<16xf32>,
        %add3A_474 = arith.constant 24 : i32
        %add3A_475 = vector.broadcast %add3A_474 : i32 to vector<16xi32>
        %add3A_476 = arith.addi %add3A_299, %add3A_475 : vector<16xi32>
        tpu.vector_store_idx %arg9[%add3A_42, %add3A_476], %gather3A_473 masked %lt3A_301 : memref<16x832xf32, #tpu.memory_space<vmem>>[vector<16xi32>, vector<16xi32>], vector<16xf32>, vector<16xi1>
        %add3A_477 = arith.constant 25 : i32
        %add3A_478 = vector.broadcast %add3A_477 : i32 to vector<16xi32>
        %add3A_479 = arith.addi %get3A_293, %add3A_478 : vector<16xi32>
        %gather3A_480 = tpu.vector_load_idx %arg8[%min3A_290, %add3A_479] : memref<416x128xf32, #tpu.memory_space<vmem>>[vector<16xi32>, vector<16xi32>], vector<16xf32>,
        %add3A_481 = arith.constant 25 : i32
        %add3A_482 = vector.broadcast %add3A_481 : i32 to vector<16xi32>
        %add3A_483 = arith.addi %add3A_299, %add3A_482 : vector<16xi32>
        tpu.vector_store_idx %arg9[%add3A_42, %add3A_483], %gather3A_480 masked %lt3A_301 : memref<16x832xf32, #tpu.memory_space<vmem>>[vector<16xi32>, vector<16xi32>], vector<16xf32>, vector<16xi1>
        %add3A_484 = arith.constant 26 : i32
        %add3A_485 = vector.broadcast %add3A_484 : i32 to vector<16xi32>
        %add3A_486 = arith.addi %get3A_293, %add3A_485 : vector<16xi32>
        %gather3A_487 = tpu.vector_load_idx %arg8[%min3A_290, %add3A_486] : memref<416x128xf32, #tpu.memory_space<vmem>>[vector<16xi32>, vector<16xi32>], vector<16xf32>,
        %add3A_488 = arith.constant 26 : i32
        %add3A_489 = vector.broadcast %add3A_488 : i32 to vector<16xi32>
        %add3A_490 = arith.addi %add3A_299, %add3A_489 : vector<16xi32>
        tpu.vector_store_idx %arg9[%add3A_42, %add3A_490], %gather3A_487 masked %lt3A_301 : memref<16x832xf32, #tpu.memory_space<vmem>>[vector<16xi32>, vector<16xi32>], vector<16xf32>, vector<16xi1>
        %add3A_491 = arith.constant 27 : i32
        %add3A_492 = vector.broadcast %add3A_491 : i32 to vector<16xi32>
        %add3A_493 = arith.addi %get3A_293, %add3A_492 : vector<16xi32>
        %gather3A_494 = tpu.vector_load_idx %arg8[%min3A_290, %add3A_493] : memref<416x128xf32, #tpu.memory_space<vmem>>[vector<16xi32>, vector<16xi32>], vector<16xf32>,
        %add3A_495 = arith.constant 27 : i32
        %add3A_496 = vector.broadcast %add3A_495 : i32 to vector<16xi32>
        %add3A_497 = arith.addi %add3A_299, %add3A_496 : vector<16xi32>
        tpu.vector_store_idx %arg9[%add3A_42, %add3A_497], %gather3A_494 masked %lt3A_301 : memref<16x832xf32, #tpu.memory_space<vmem>>[vector<16xi32>, vector<16xi32>], vector<16xf32>, vector<16xi1>
        %add3A_498 = arith.constant 28 : i32
        %add3A_499 = vector.broadcast %add3A_498 : i32 to vector<16xi32>
        %add3A_500 = arith.addi %get3A_293, %add3A_499 : vector<16xi32>
        %gather3A_501 = tpu.vector_load_idx %arg8[%min3A_290, %add3A_500] : memref<416x128xf32, #tpu.memory_space<vmem>>[vector<16xi32>, vector<16xi32>], vector<16xf32>,
        %add3A_502 = arith.constant 28 : i32
        %add3A_503 = vector.broadcast %add3A_502 : i32 to vector<16xi32>
        %add3A_504 = arith.addi %add3A_299, %add3A_503 : vector<16xi32>
        tpu.vector_store_idx %arg9[%add3A_42, %add3A_504], %gather3A_501 masked %lt3A_301 : memref<16x832xf32, #tpu.memory_space<vmem>>[vector<16xi32>, vector<16xi32>], vector<16xf32>, vector<16xi1>
        %add3A_505 = arith.constant 29 : i32
        %add3A_506 = vector.broadcast %add3A_505 : i32 to vector<16xi32>
        %add3A_507 = arith.addi %get3A_293, %add3A_506 : vector<16xi32>
        %gather3A_508 = tpu.vector_load_idx %arg8[%min3A_290, %add3A_507] : memref<416x128xf32, #tpu.memory_space<vmem>>[vector<16xi32>, vector<16xi32>], vector<16xf32>,
        %add3A_509 = arith.constant 29 : i32
        %add3A_510 = vector.broadcast %add3A_509 : i32 to vector<16xi32>
        %add3A_511 = arith.addi %add3A_299, %add3A_510 : vector<16xi32>
        tpu.vector_store_idx %arg9[%add3A_42, %add3A_511], %gather3A_508 masked %lt3A_301 : memref<16x832xf32, #tpu.memory_space<vmem>>[vector<16xi32>, vector<16xi32>], vector<16xf32>, vector<16xi1>
        %add3A_512 = arith.constant 30 : i32
        %add3A_513 = vector.broadcast %add3A_512 : i32 to vector<16xi32>
        %add3A_514 = arith.addi %get3A_293, %add3A_513 : vector<16xi32>
        %gather3A_515 = tpu.vector_load_idx %arg8[%min3A_290, %add3A_514] : memref<416x128xf32, #tpu.memory_space<vmem>>[vector<16xi32>, vector<16xi32>], vector<16xf32>,
        %add3A_516 = arith.constant 30 : i32
        %add3A_517 = vector.broadcast %add3A_516 : i32 to vector<16xi32>
        %add3A_518 = arith.addi %add3A_299, %add3A_517 : vector<16xi32>
        tpu.vector_store_idx %arg9[%add3A_42, %add3A_518], %gather3A_515 masked %lt3A_301 : memref<16x832xf32, #tpu.memory_space<vmem>>[vector<16xi32>, vector<16xi32>], vector<16xf32>, vector<16xi1>
        %add3A_519 = arith.constant 31 : i32
        %add3A_520 = vector.broadcast %add3A_519 : i32 to vector<16xi32>
        %add3A_521 = arith.addi %get3A_293, %add3A_520 : vector<16xi32>
        %gather3A_522 = tpu.vector_load_idx %arg8[%min3A_290, %add3A_521] : memref<416x128xf32, #tpu.memory_space<vmem>>[vector<16xi32>, vector<16xi32>], vector<16xf32>,
        %add3A_523 = arith.constant 31 : i32
        %add3A_524 = vector.broadcast %add3A_523 : i32 to vector<16xi32>
        %add3A_525 = arith.addi %add3A_299, %add3A_524 : vector<16xi32>
        tpu.vector_store_idx %arg9[%add3A_42, %add3A_525], %gather3A_522 masked %lt3A_301 : memref<16x832xf32, #tpu.memory_space<vmem>>[vector<16xi32>, vector<16xi32>], vector<16xf32>, vector<16xi1>
      }
      %scan3A_32 = arith.constant 16 : i32
      "tpu.region"() ({
        %run_scoped3A = tpu.sem_alloc : memref<!tpu.dma_semaphore, #tpu.memory_space<semaphore_mem>>
        %dma_start3A = arith.constant 0 : i32
        %dma_start3A_33 = tpu.memref_slice %arg5[%add3A_14, %dma_start3A] : memref<16384x832xf32, #tpu.memory_space<hbm>> -> memref<16x832xf32, #tpu.memory_space<hbm>>
        %dma_start3A_34 = arith.constant 0 : i32
        %dma_start3A_35 = tpu.memref_slice %arg5[%add3A_14, %dma_start3A_34] : memref<16384x832xf32, #tpu.memory_space<hbm>> -> memref<16x832xf32, #tpu.memory_space<hbm>>
        tpu.enqueue_dma source(%arg9 : memref<16x832xf32, #tpu.memory_space<vmem>>) target(%dma_start3A_35 : memref<16x832xf32, #tpu.memory_space<hbm>>) target_semaphore(%run_scoped3A : memref<!tpu.dma_semaphore, #tpu.memory_space<semaphore_mem>>)
        %dma_wait3A_36 = arith.constant 0 : i32
        %dma_wait3A_37 = tpu.memref_slice %arg5[%add3A_14, %dma_wait3A_36] : memref<16384x832xf32, #tpu.memory_space<hbm>> -> memref<16x832xf32, #tpu.memory_space<hbm>>
        %dma_wait3A_38 = arith.constant 0 : i32
        %dma_wait3A_39 = tpu.memref_slice %arg5[%add3A_14, %dma_wait3A_38] : memref<16384x832xf32, #tpu.memory_space<hbm>> -> memref<16x832xf32, #tpu.memory_space<hbm>>
        tpu.wait_dma2 semaphore(%run_scoped3A : memref<!tpu.dma_semaphore, #tpu.memory_space<semaphore_mem>>) src(%arg9 : memref<16x832xf32, #tpu.memory_space<vmem>>) dst(%dma_wait3A_39 : memref<16x832xf32, #tpu.memory_space<hbm>>)
        tpu.yield
      }) : () -> ()
    }
    %scan3A_6 = arith.constant 32 : i32
    return
  }
}

module attributes {stable_mosaic.version = 14 : i64} {
  func.func @_rp_body(%arg0: i32, %arg1: i32, %arg2: memref<1x3128x32xf32, #tpu.memory_space<vmem>>, %arg3: memref<1x3128x32xf32, #tpu.memory_space<vmem>>, %arg4: memref<1x3128x32xf32, #tpu.memory_space<vmem>>, %arg5: memref<1x3128x32xf32, #tpu.memory_space<vmem>>, %arg6: memref<3128x128xf32, #tpu.memory_space<vmem>>) attributes {dimension_semantics = [#tpu.dimension_semantics<arbitrary>, #tpu.dimension_semantics<arbitrary>], iteration_bounds = array<i64: 26, 8>, scalar_prefetch = 0 : i64, scratch_operands = 0 : i64, tpu.core_type = #tpu.core_type<tc>, window_params = [{transform_indices = @transform_0, window_bounds = array<i64: 1, 3128, 32>}, {transform_indices = @transform_1, window_bounds = array<i64: 1, 3128, 32>}, {transform_indices = @transform_2, window_bounds = array<i64: 1, 3128, 32>}, {transform_indices = @transform_3, window_bounds = array<i64: 1, 3128, 32>}, {transform_indices = @transform_4, window_bounds = array<i64: 3128, 128>}]} {
    %get3A = arith.constant 0 : index
    %get3A_0 = arith.constant 0 : index
    %get3A_1 = arith.constant 0 : index
    %get3A_2 = vector.load %arg2[%get3A, %get3A_0, %get3A_1] : memref<1x3128x32xf32, #tpu.memory_space<vmem>>, vector<1x3128x32xf32>
    %get3A_3 = vector.shape_cast %get3A_2 : vector<1x3128x32xf32> to vector<3128x32xf32>
    %get3A_4 = arith.constant 0 : index
    %get3A_5 = arith.constant 0 : index
    %get3A_6 = arith.constant 0 : index
    %get3A_7 = vector.load %arg3[%get3A_4, %get3A_5, %get3A_6] : memref<1x3128x32xf32, #tpu.memory_space<vmem>>, vector<1x3128x32xf32>
    %get3A_8 = vector.shape_cast %get3A_7 : vector<1x3128x32xf32> to vector<3128x32xf32>
    %get3A_9 = arith.constant 0 : index
    %get3A_10 = arith.constant 0 : index
    %get3A_11 = arith.constant 0 : index
    %get3A_12 = vector.load %arg4[%get3A_9, %get3A_10, %get3A_11] : memref<1x3128x32xf32, #tpu.memory_space<vmem>>, vector<1x3128x32xf32>
    %get3A_13 = vector.shape_cast %get3A_12 : vector<1x3128x32xf32> to vector<3128x32xf32>
    %get3A_14 = arith.constant 0 : index
    %get3A_15 = arith.constant 0 : index
    %get3A_16 = arith.constant 0 : index
    %get3A_17 = vector.load %arg5[%get3A_14, %get3A_15, %get3A_16] : memref<1x3128x32xf32, #tpu.memory_space<vmem>>, vector<1x3128x32xf32>
    %get3A_18 = vector.shape_cast %get3A_17 : vector<1x3128x32xf32> to vector<3128x32xf32>
    %concatenate3A = tpu.concatenate %get3A_3, %get3A_8, %get3A_13, %get3A_18 in 1 : vector<3128x32xf32>, vector<3128x32xf32>, vector<3128x32xf32>, vector<3128x32xf32> -> vector<3128x128xf32>
    %swap3A = arith.constant 0 : index
    %swap3A_19 = arith.constant 0 : index
    %swap3A_20 = vector.load %arg6[%swap3A, %swap3A_19] : memref<3128x128xf32, #tpu.memory_space<vmem>>, vector<3128x128xf32>
    tpu.vector_store %arg6[%swap3A, %swap3A_19], %concatenate3A {strides = array<i32>} : memref<3128x128xf32, #tpu.memory_space<vmem>>, vector<3128x128xf32>,
    return
  }
  func.func @transform_0(%arg0: i32, %arg1: i32) -> (i32, i32, i32) {
    %add3A = arith.constant 0 : i32
    %add3A_0 = arith.addi %add3A, %arg1 : i32
    %c0_i32 = arith.constant 0 : i32
    %c0_i32_1 = arith.constant 0 : i32
    return %arg0, %add3A_0, %c0_i32 : i32, i32, i32
  }
  func.func @transform_1(%arg0: i32, %arg1: i32) -> (i32, i32, i32) {
    %add3A = arith.constant 8 : i32
    %add3A_0 = arith.addi %add3A, %arg1 : i32
    %c0_i32 = arith.constant 0 : i32
    %c0_i32_1 = arith.constant 0 : i32
    return %arg0, %add3A_0, %c0_i32 : i32, i32, i32
  }
  func.func @transform_2(%arg0: i32, %arg1: i32) -> (i32, i32, i32) {
    %add3A = arith.constant 16 : i32
    %add3A_0 = arith.addi %add3A, %arg1 : i32
    %c0_i32 = arith.constant 0 : i32
    %c0_i32_1 = arith.constant 0 : i32
    return %arg0, %add3A_0, %c0_i32 : i32, i32, i32
  }
  func.func @transform_3(%arg0: i32, %arg1: i32) -> (i32, i32, i32) {
    %add3A = arith.constant 24 : i32
    %add3A_0 = arith.addi %add3A, %arg1 : i32
    %c0_i32 = arith.constant 0 : i32
    %c0_i32_1 = arith.constant 0 : i32
    return %arg0, %add3A_0, %c0_i32 : i32, i32, i32
  }
  func.func @transform_4(%arg0: i32, %arg1: i32) -> (i32, i32) {
    %mul3A = arith.constant 8 : i32
    %mul3A_0 = arith.muli %arg0, %mul3A : i32
    %add3A = arith.addi %mul3A_0, %arg1 : i32
    %c0_i32 = arith.constant 0 : i32
    %c0_i32_1 = arith.constant 0 : i32
    return %add3A, %c0_i32 : i32, i32
  }
}

module attributes {stable_mosaic.version = 14 : i64} {
  func.func @_l1_body(%arg0: i32, %arg1: memref<1024x832xf32, #tpu.memory_space<vmem>>, %arg2: memref<1024x1xf32, #tpu.memory_space<vmem>>, %arg3: memref<832x1024xf32, #tpu.memory_space<vmem>>, %arg4: memref<1x1024xf32, #tpu.memory_space<vmem>>, %arg5: memref<1x1024xf32, #tpu.memory_space<vmem>>, %arg6: memref<1024x1024xf32, #tpu.memory_space<vmem>>, %arg7: memref<8x1024xf32, #tpu.memory_space<vmem>>) attributes {dimension_semantics = [#tpu.dimension_semantics<arbitrary>], iteration_bounds = array<i64: 16>, scalar_prefetch = 0 : i64, scratch_operands = 0 : i64, tpu.core_type = #tpu.core_type<tc>, window_params = [{transform_indices = @transform_0, window_bounds = array<i64: 1024, 832>}, {transform_indices = @transform_1, window_bounds = array<i64: 1024, 1>}, {pipeline_mode = #tpu.pipeline_mode<synchronous>, transform_indices = @transform_2, window_bounds = array<i64: 832, 1024>}, {pipeline_mode = #tpu.pipeline_mode<synchronous>, transform_indices = @transform_3, window_bounds = array<i64: 1, 1024>}, {pipeline_mode = #tpu.pipeline_mode<synchronous>, transform_indices = @transform_4, window_bounds = array<i64: 1, 1024>}, {transform_indices = @transform_5, window_bounds = array<i64: 1024, 1024>}, {pipeline_mode = #tpu.pipeline_mode<synchronous>, transform_indices = @transform_6, window_bounds = array<i64: 8, 1024>}]} {
    %get3A = arith.constant 0 : index
    %get3A_0 = arith.constant 0 : index
    %get3A_1 = vector.load %arg1[%get3A, %get3A_0] : memref<1024x832xf32, #tpu.memory_space<vmem>>, vector<1024x832xf32>
    %get3A_2 = arith.constant 0 : index
    %get3A_3 = arith.constant 0 : index
    %get3A_4 = vector.load %arg3[%get3A_2, %get3A_3] : memref<832x1024xf32, #tpu.memory_space<vmem>>, vector<832x1024xf32>
    %dot_general3A = arith.constant dense<0.000000e+00> : vector<1024x1024xf32>
    %dot_general3A_5 = tpu.matmul %get3A_1, %get3A_4, %dot_general3A {dimension_numbers = #tpu.dot_dimension_numbers<[1], [0], [0], [1], [0, 0, 1, 1], [], []>, transpose_lhs_hint = false} : vector<1024x832xf32>, vector<832x1024xf32>, vector<1024x1024xf32> -> vector<1024x1024xf32>
    %get3A_6 = arith.constant 0 : index
    %get3A_7 = arith.constant 0 : index
    %get3A_8 = vector.load %arg2[%get3A_6, %get3A_7] : memref<1024x1xf32, #tpu.memory_space<vmem>>, vector<1024x1xf32>
    %get3A_9 = arith.constant 0 : index
    %get3A_10 = arith.constant 0 : index
    %get3A_11 = vector.load %arg4[%get3A_9, %get3A_10] : memref<1x1024xf32, #tpu.memory_space<vmem>>, vector<1x1024xf32>
    %mul3A = vector.broadcast %get3A_8 : vector<1024x1xf32> to vector<1024x1024xf32>
    %mul3A_12 = vector.broadcast %get3A_11 : vector<1x1024xf32> to vector<1024x1024xf32>
    %mul3A_13 = arith.mulf %mul3A, %mul3A_12 : vector<1024x1024xf32>
    %add3A = arith.addf %dot_general3A_5, %mul3A_13 : vector<1024x1024xf32>
    %get3A_14 = arith.constant 0 : index
    %get3A_15 = arith.constant 0 : index
    %get3A_16 = vector.load %arg5[%get3A_14, %get3A_15] : memref<1x1024xf32, #tpu.memory_space<vmem>>, vector<1x1024xf32>
    %add3A_17 = vector.broadcast %get3A_16 : vector<1x1024xf32> to vector<1024x1024xf32>
    %add3A_18 = arith.addf %add3A, %add3A_17 : vector<1024x1024xf32>
    %max3A = arith.constant 0.000000e+00 : f32
    %max3A_19 = vector.broadcast %max3A : f32 to vector<1024x1024xf32>
    %max3A_20 = arith.maximumf %add3A_18, %max3A_19 : vector<1024x1024xf32>
    %swap3A = arith.constant 0 : index
    %swap3A_21 = arith.constant 0 : index
    %swap3A_22 = vector.load %arg6[%swap3A, %swap3A_21] : memref<1024x1024xf32, #tpu.memory_space<vmem>>, vector<1024x1024xf32>
    tpu.vector_store %arg6[%swap3A, %swap3A_21], %max3A_20 {strides = array<i32>} : memref<1024x1024xf32, #tpu.memory_space<vmem>>, vector<1024x1024xf32>,
    %eq3A = arith.constant 0 : i32
    %eq3A_23 = arith.cmpi eq, %arg0, %eq3A : i32
    %convert_element_type3A = arith.extui %eq3A_23 : i1 to i32
    %cond3A = arith.constant 0 : i32
    %cond3A_24 = arith.cmpi ne, %convert_element_type3A, %cond3A : i32
    scf.if %cond3A_24 {
      %broadcast_in_dim3A_39 = arith.constant 0.000000e+00 : f32
      %broadcast_in_dim3A_40 = vector.broadcast %broadcast_in_dim3A_39 : f32 to vector<8x1024xf32>
      %swap3A_41 = arith.constant 0 : index
      %swap3A_42 = arith.constant 0 : index
      %swap3A_43 = vector.load %arg7[%swap3A_41, %swap3A_42] : memref<8x1024xf32, #tpu.memory_space<vmem>>, vector<8x1024xf32>
      tpu.vector_store %arg7[%swap3A_41, %swap3A_42], %broadcast_in_dim3A_40 {strides = array<i32>} : memref<8x1024xf32, #tpu.memory_space<vmem>>, vector<8x1024xf32>,
    } else {
    }
    %get3A_25 = arith.constant 0 : index
    %get3A_26 = arith.constant 0 : index
    %get3A_27 = vector.load %arg7[%get3A_25, %get3A_26] : memref<8x1024xf32, #tpu.memory_space<vmem>>, vector<8x1024xf32>
    %reduce_sum3A = arith.constant dense<0.000000e+00> : vector<1024xf32>
    %reduce_sum3A_28 = vector.multi_reduction <add>, %max3A_20, %reduce_sum3A [0] : vector<1024x1024xf32> to vector<1024xf32>
    %broadcast_in_dim3A = vector.shape_cast %reduce_sum3A_28 : vector<1024xf32> to vector<1x1024xf32>
    %mul3A_29 = arith.mulf %max3A_20, %max3A_20 : vector<1024x1024xf32>
    %reduce_sum3A_30 = arith.constant dense<0.000000e+00> : vector<1024xf32>
    %reduce_sum3A_31 = vector.multi_reduction <add>, %mul3A_29, %reduce_sum3A_30 [0] : vector<1024x1024xf32> to vector<1024xf32>
    %broadcast_in_dim3A_32 = vector.shape_cast %reduce_sum3A_31 : vector<1024xf32> to vector<1x1024xf32>
    %broadcast_in_dim3A_33 = arith.constant 0.000000e+00 : f32
    %broadcast_in_dim3A_34 = vector.broadcast %broadcast_in_dim3A_33 : f32 to vector<6x1024xf32>
    %concatenate3A = tpu.concatenate %broadcast_in_dim3A, %broadcast_in_dim3A_32, %broadcast_in_dim3A_34 in 0 : vector<1x1024xf32>, vector<1x1024xf32>, vector<6x1024xf32> -> vector<8x1024xf32>
    %add3A_35 = arith.addf %get3A_27, %concatenate3A : vector<8x1024xf32>
    %swap3A_36 = arith.constant 0 : index
    %swap3A_37 = arith.constant 0 : index
    %swap3A_38 = vector.load %arg7[%swap3A_36, %swap3A_37] : memref<8x1024xf32, #tpu.memory_space<vmem>>, vector<8x1024xf32>
    tpu.vector_store %arg7[%swap3A_36, %swap3A_37], %add3A_35 {strides = array<i32>} : memref<8x1024xf32, #tpu.memory_space<vmem>>, vector<8x1024xf32>,
    return
  }
  func.func @transform_0(%arg0: i32) -> (i32, i32) {
    %c0_i32 = arith.constant 0 : i32
    %c0_i32_0 = arith.constant 0 : i32
    return %arg0, %c0_i32 : i32, i32
  }
  func.func @transform_1(%arg0: i32) -> (i32, i32) {
    %c0_i32 = arith.constant 0 : i32
    %c0_i32_0 = arith.constant 0 : i32
    return %arg0, %c0_i32 : i32, i32
  }
  func.func @transform_2(%arg0: i32) -> (i32, i32) {
    %c0_i32 = arith.constant 0 : i32
    %c0_i32_0 = arith.constant 0 : i32
    %c0_i32_1 = arith.constant 0 : i32
    return %c0_i32, %c0_i32_0 : i32, i32
  }
  func.func @transform_3(%arg0: i32) -> (i32, i32) {
    %c0_i32 = arith.constant 0 : i32
    %c0_i32_0 = arith.constant 0 : i32
    %c0_i32_1 = arith.constant 0 : i32
    return %c0_i32, %c0_i32_0 : i32, i32
  }
  func.func @transform_4(%arg0: i32) -> (i32, i32) {
    %c0_i32 = arith.constant 0 : i32
    %c0_i32_0 = arith.constant 0 : i32
    %c0_i32_1 = arith.constant 0 : i32
    return %c0_i32, %c0_i32_0 : i32, i32
  }
  func.func @transform_5(%arg0: i32) -> (i32, i32) {
    %c0_i32 = arith.constant 0 : i32
    %c0_i32_0 = arith.constant 0 : i32
    return %arg0, %c0_i32 : i32, i32
  }
  func.func @transform_6(%arg0: i32) -> (i32, i32) {
    %c0_i32 = arith.constant 0 : i32
    %c0_i32_0 = arith.constant 0 : i32
    %c0_i32_1 = arith.constant 0 : i32
    return %c0_i32, %c0_i32_0 : i32, i32
  }
}

module attributes {stable_mosaic.version = 14 : i64} {
  func.func @_mid_body(%arg0: i32, %arg1: memref<1024x1024xf32, #tpu.memory_space<vmem>>, %arg2: memref<8x1024xf32, #tpu.memory_space<vmem>>, %arg3: memref<1x1024xf32, #tpu.memory_space<vmem>>, %arg4: memref<1x1024xf32, #tpu.memory_space<vmem>>, %arg5: memref<1024x512xf32, #tpu.memory_space<vmem>>, %arg6: memref<1x512xf32, #tpu.memory_space<vmem>>, %arg7: memref<1024x512xf32, #tpu.memory_space<vmem>>, %arg8: memref<8x512xf32, #tpu.memory_space<vmem>>) attributes {dimension_semantics = [#tpu.dimension_semantics<arbitrary>], iteration_bounds = array<i64: 16>, scalar_prefetch = 0 : i64, scratch_operands = 0 : i64, tpu.core_type = #tpu.core_type<tc>, window_params = [{transform_indices = @transform_0, window_bounds = array<i64: 1024, 1024>}, {pipeline_mode = #tpu.pipeline_mode<synchronous>, transform_indices = @transform_1, window_bounds = array<i64: 8, 1024>}, {pipeline_mode = #tpu.pipeline_mode<synchronous>, transform_indices = @transform_2, window_bounds = array<i64: 1, 1024>}, {pipeline_mode = #tpu.pipeline_mode<synchronous>, transform_indices = @transform_3, window_bounds = array<i64: 1, 1024>}, {pipeline_mode = #tpu.pipeline_mode<synchronous>, transform_indices = @transform_4, window_bounds = array<i64: 1024, 512>}, {pipeline_mode = #tpu.pipeline_mode<synchronous>, transform_indices = @transform_5, window_bounds = array<i64: 1, 512>}, {transform_indices = @transform_6, window_bounds = array<i64: 1024, 512>}, {pipeline_mode = #tpu.pipeline_mode<synchronous>, transform_indices = @transform_7, window_bounds = array<i64: 8, 512>}]} {
    %get3A = arith.constant 0 : index
    %get3A_0 = arith.constant 0 : index
    %get3A_1 = vector.load %arg2[%get3A, %get3A_0] : memref<8x1024xf32, #tpu.memory_space<vmem>>, vector<1x1024xf32>
    %mul3A = arith.constant 6.10351563E-5 : f32
    %mul3A_2 = vector.broadcast %mul3A : f32 to vector<1x1024xf32>
    %mul3A_3 = arith.mulf %get3A_1, %mul3A_2 : vector<1x1024xf32>
    %get3A_4 = arith.constant 1 : index
    %get3A_5 = arith.constant 0 : index
    %get3A_6 = vector.load %arg2[%get3A_4, %get3A_5] : memref<8x1024xf32, #tpu.memory_space<vmem>>, vector<1x1024xf32>
    %mul3A_7 = arith.constant 6.10351563E-5 : f32
    %mul3A_8 = vector.broadcast %mul3A_7 : f32 to vector<1x1024xf32>
    %mul3A_9 = arith.mulf %get3A_6, %mul3A_8 : vector<1x1024xf32>
    %mul3A_10 = arith.mulf %mul3A_3, %mul3A_3 : vector<1x1024xf32>
    %sub3A = arith.subf %mul3A_9, %mul3A_10 : vector<1x1024xf32>
    %get3A_11 = arith.constant 0 : index
    %get3A_12 = arith.constant 0 : index
    %get3A_13 = vector.load %arg3[%get3A_11, %get3A_12] : memref<1x1024xf32, #tpu.memory_space<vmem>>, vector<1x1024xf32>
    %add3A = arith.constant 9.99999974E-6 : f32
    %add3A_14 = vector.broadcast %add3A : f32 to vector<1x1024xf32>
    %add3A_15 = arith.addf %sub3A, %add3A_14 : vector<1x1024xf32>
    %rsqrt3A = math.rsqrt %add3A_15 : vector<1x1024xf32>
    %mul3A_16 = arith.mulf %get3A_13, %rsqrt3A : vector<1x1024xf32>
    %get3A_17 = arith.constant 0 : index
    %get3A_18 = arith.constant 0 : index
    %get3A_19 = vector.load %arg1[%get3A_17, %get3A_18] : memref<1024x1024xf32, #tpu.memory_space<vmem>>, vector<1024x1024xf32>
    %sub3A_20 = vector.broadcast %mul3A_3 : vector<1x1024xf32> to vector<1024x1024xf32>
    %sub3A_21 = arith.subf %get3A_19, %sub3A_20 : vector<1024x1024xf32>
    %mul3A_22 = vector.broadcast %mul3A_16 : vector<1x1024xf32> to vector<1024x1024xf32>
    %mul3A_23 = arith.mulf %sub3A_21, %mul3A_22 : vector<1024x1024xf32>
    %get3A_24 = arith.constant 0 : index
    %get3A_25 = arith.constant 0 : index
    %get3A_26 = vector.load %arg4[%get3A_24, %get3A_25] : memref<1x1024xf32, #tpu.memory_space<vmem>>, vector<1x1024xf32>
    %add3A_27 = vector.broadcast %get3A_26 : vector<1x1024xf32> to vector<1024x1024xf32>
    %add3A_28 = arith.addf %mul3A_23, %add3A_27 : vector<1024x1024xf32>
    %get3A_29 = arith.constant 0 : index
    %get3A_30 = arith.constant 0 : index
    %get3A_31 = vector.load %arg5[%get3A_29, %get3A_30] : memref<1024x512xf32, #tpu.memory_space<vmem>>, vector<1024x512xf32>
    %dot_general3A = arith.constant dense<0.000000e+00> : vector<1024x512xf32>
    %dot_general3A_32 = tpu.matmul %add3A_28, %get3A_31, %dot_general3A {dimension_numbers = #tpu.dot_dimension_numbers<[1], [0], [0], [1], [0, 0, 1, 1], [], []>, transpose_lhs_hint = false} : vector<1024x1024xf32>, vector<1024x512xf32>, vector<1024x512xf32> -> vector<1024x512xf32>
    %get3A_33 = arith.constant 0 : index
    %get3A_34 = arith.constant 0 : index
    %get3A_35 = vector.load %arg6[%get3A_33, %get3A_34] : memref<1x512xf32, #tpu.memory_space<vmem>>, vector<1x512xf32>
    %add3A_36 = vector.broadcast %get3A_35 : vector<1x512xf32> to vector<1024x512xf32>
    %add3A_37 = arith.addf %dot_general3A_32, %add3A_36 : vector<1024x512xf32>
    %max3A = arith.constant 0.000000e+00 : f32
    %max3A_38 = vector.broadcast %max3A : f32 to vector<1024x512xf32>
    %max3A_39 = arith.maximumf %add3A_37, %max3A_38 : vector<1024x512xf32>
    %swap3A = arith.constant 0 : index
    %swap3A_40 = arith.constant 0 : index
    %swap3A_41 = vector.load %arg7[%swap3A, %swap3A_40] : memref<1024x512xf32, #tpu.memory_space<vmem>>, vector<1024x512xf32>
    tpu.vector_store %arg7[%swap3A, %swap3A_40], %max3A_39 {strides = array<i32>} : memref<1024x512xf32, #tpu.memory_space<vmem>>, vector<1024x512xf32>,
    %eq3A = arith.constant 0 : i32
    %eq3A_42 = arith.cmpi eq, %arg0, %eq3A : i32
    %convert_element_type3A = arith.extui %eq3A_42 : i1 to i32
    %cond3A = arith.constant 0 : i32
    %cond3A_43 = arith.cmpi ne, %convert_element_type3A, %cond3A : i32
    scf.if %cond3A_43 {
      %broadcast_in_dim3A_58 = arith.constant 0.000000e+00 : f32
      %broadcast_in_dim3A_59 = vector.broadcast %broadcast_in_dim3A_58 : f32 to vector<8x512xf32>
      %swap3A_60 = arith.constant 0 : index
      %swap3A_61 = arith.constant 0 : index
      %swap3A_62 = vector.load %arg8[%swap3A_60, %swap3A_61] : memref<8x512xf32, #tpu.memory_space<vmem>>, vector<8x512xf32>
      tpu.vector_store %arg8[%swap3A_60, %swap3A_61], %broadcast_in_dim3A_59 {strides = array<i32>} : memref<8x512xf32, #tpu.memory_space<vmem>>, vector<8x512xf32>,
    } else {
    }
    %get3A_44 = arith.constant 0 : index
    %get3A_45 = arith.constant 0 : index
    %get3A_46 = vector.load %arg8[%get3A_44, %get3A_45] : memref<8x512xf32, #tpu.memory_space<vmem>>, vector<8x512xf32>
    %reduce_sum3A = arith.constant dense<0.000000e+00> : vector<512xf32>
    %reduce_sum3A_47 = vector.multi_reduction <add>, %max3A_39, %reduce_sum3A [0] : vector<1024x512xf32> to vector<512xf32>
    %broadcast_in_dim3A = vector.shape_cast %reduce_sum3A_47 : vector<512xf32> to vector<1x512xf32>
    %mul3A_48 = arith.mulf %max3A_39, %max3A_39 : vector<1024x512xf32>
    %reduce_sum3A_49 = arith.constant dense<0.000000e+00> : vector<512xf32>
    %reduce_sum3A_50 = vector.multi_reduction <add>, %mul3A_48, %reduce_sum3A_49 [0] : vector<1024x512xf32> to vector<512xf32>
    %broadcast_in_dim3A_51 = vector.shape_cast %reduce_sum3A_50 : vector<512xf32> to vector<1x512xf32>
    %broadcast_in_dim3A_52 = arith.constant 0.000000e+00 : f32
    %broadcast_in_dim3A_53 = vector.broadcast %broadcast_in_dim3A_52 : f32 to vector<6x512xf32>
    %concatenate3A = tpu.concatenate %broadcast_in_dim3A, %broadcast_in_dim3A_51, %broadcast_in_dim3A_53 in 0 : vector<1x512xf32>, vector<1x512xf32>, vector<6x512xf32> -> vector<8x512xf32>
    %add3A_54 = arith.addf %get3A_46, %concatenate3A : vector<8x512xf32>
    %swap3A_55 = arith.constant 0 : index
    %swap3A_56 = arith.constant 0 : index
    %swap3A_57 = vector.load %arg8[%swap3A_55, %swap3A_56] : memref<8x512xf32, #tpu.memory_space<vmem>>, vector<8x512xf32>
    tpu.vector_store %arg8[%swap3A_55, %swap3A_56], %add3A_54 {strides = array<i32>} : memref<8x512xf32, #tpu.memory_space<vmem>>, vector<8x512xf32>,
    return
  }
  func.func @transform_0(%arg0: i32) -> (i32, i32) {
    %c0_i32 = arith.constant 0 : i32
    %c0_i32_0 = arith.constant 0 : i32
    return %arg0, %c0_i32 : i32, i32
  }
  func.func @transform_1(%arg0: i32) -> (i32, i32) {
    %c0_i32 = arith.constant 0 : i32
    %c0_i32_0 = arith.constant 0 : i32
    %c0_i32_1 = arith.constant 0 : i32
    return %c0_i32, %c0_i32_0 : i32, i32
  }
  func.func @transform_2(%arg0: i32) -> (i32, i32) {
    %c0_i32 = arith.constant 0 : i32
    %c0_i32_0 = arith.constant 0 : i32
    %c0_i32_1 = arith.constant 0 : i32
    return %c0_i32, %c0_i32_0 : i32, i32
  }
  func.func @transform_3(%arg0: i32) -> (i32, i32) {
    %c0_i32 = arith.constant 0 : i32
    %c0_i32_0 = arith.constant 0 : i32
    %c0_i32_1 = arith.constant 0 : i32
    return %c0_i32, %c0_i32_0 : i32, i32
  }
  func.func @transform_4(%arg0: i32) -> (i32, i32) {
    %c0_i32 = arith.constant 0 : i32
    %c0_i32_0 = arith.constant 0 : i32
    %c0_i32_1 = arith.constant 0 : i32
    return %c0_i32, %c0_i32_0 : i32, i32
  }
  func.func @transform_5(%arg0: i32) -> (i32, i32) {
    %c0_i32 = arith.constant 0 : i32
    %c0_i32_0 = arith.constant 0 : i32
    %c0_i32_1 = arith.constant 0 : i32
    return %c0_i32, %c0_i32_0 : i32, i32
  }
  func.func @transform_6(%arg0: i32) -> (i32, i32) {
    %c0_i32 = arith.constant 0 : i32
    %c0_i32_0 = arith.constant 0 : i32
    return %arg0, %c0_i32 : i32, i32
  }
  func.func @transform_7(%arg0: i32) -> (i32, i32) {
    %c0_i32 = arith.constant 0 : i32
    %c0_i32_0 = arith.constant 0 : i32
    %c0_i32_1 = arith.constant 0 : i32
    return %c0_i32, %c0_i32_0 : i32, i32
  }
}

module attributes {stable_mosaic.version = 14 : i64} {
  func.func @_mid_body(%arg0: i32, %arg1: memref<1024x512xf32, #tpu.memory_space<vmem>>, %arg2: memref<8x512xf32, #tpu.memory_space<vmem>>, %arg3: memref<1x512xf32, #tpu.memory_space<vmem>>, %arg4: memref<1x512xf32, #tpu.memory_space<vmem>>, %arg5: memref<512x256xf32, #tpu.memory_space<vmem>>, %arg6: memref<1x256xf32, #tpu.memory_space<vmem>>, %arg7: memref<1024x256xf32, #tpu.memory_space<vmem>>, %arg8: memref<8x256xf32, #tpu.memory_space<vmem>>) attributes {dimension_semantics = [#tpu.dimension_semantics<arbitrary>], iteration_bounds = array<i64: 16>, scalar_prefetch = 0 : i64, scratch_operands = 0 : i64, tpu.core_type = #tpu.core_type<tc>, window_params = [{transform_indices = @transform_0, window_bounds = array<i64: 1024, 512>}, {pipeline_mode = #tpu.pipeline_mode<synchronous>, transform_indices = @transform_1, window_bounds = array<i64: 8, 512>}, {pipeline_mode = #tpu.pipeline_mode<synchronous>, transform_indices = @transform_2, window_bounds = array<i64: 1, 512>}, {pipeline_mode = #tpu.pipeline_mode<synchronous>, transform_indices = @transform_3, window_bounds = array<i64: 1, 512>}, {pipeline_mode = #tpu.pipeline_mode<synchronous>, transform_indices = @transform_4, window_bounds = array<i64: 512, 256>}, {pipeline_mode = #tpu.pipeline_mode<synchronous>, transform_indices = @transform_5, window_bounds = array<i64: 1, 256>}, {transform_indices = @transform_6, window_bounds = array<i64: 1024, 256>}, {pipeline_mode = #tpu.pipeline_mode<synchronous>, transform_indices = @transform_7, window_bounds = array<i64: 8, 256>}]} {
    %get3A = arith.constant 0 : index
    %get3A_0 = arith.constant 0 : index
    %get3A_1 = vector.load %arg2[%get3A, %get3A_0] : memref<8x512xf32, #tpu.memory_space<vmem>>, vector<1x512xf32>
    %mul3A = arith.constant 6.10351563E-5 : f32
    %mul3A_2 = vector.broadcast %mul3A : f32 to vector<1x512xf32>
    %mul3A_3 = arith.mulf %get3A_1, %mul3A_2 : vector<1x512xf32>
    %get3A_4 = arith.constant 1 : index
    %get3A_5 = arith.constant 0 : index
    %get3A_6 = vector.load %arg2[%get3A_4, %get3A_5] : memref<8x512xf32, #tpu.memory_space<vmem>>, vector<1x512xf32>
    %mul3A_7 = arith.constant 6.10351563E-5 : f32
    %mul3A_8 = vector.broadcast %mul3A_7 : f32 to vector<1x512xf32>
    %mul3A_9 = arith.mulf %get3A_6, %mul3A_8 : vector<1x512xf32>
    %mul3A_10 = arith.mulf %mul3A_3, %mul3A_3 : vector<1x512xf32>
    %sub3A = arith.subf %mul3A_9, %mul3A_10 : vector<1x512xf32>
    %get3A_11 = arith.constant 0 : index
    %get3A_12 = arith.constant 0 : index
    %get3A_13 = vector.load %arg3[%get3A_11, %get3A_12] : memref<1x512xf32, #tpu.memory_space<vmem>>, vector<1x512xf32>
    %add3A = arith.constant 9.99999974E-6 : f32
    %add3A_14 = vector.broadcast %add3A : f32 to vector<1x512xf32>
    %add3A_15 = arith.addf %sub3A, %add3A_14 : vector<1x512xf32>
    %rsqrt3A = math.rsqrt %add3A_15 : vector<1x512xf32>
    %mul3A_16 = arith.mulf %get3A_13, %rsqrt3A : vector<1x512xf32>
    %get3A_17 = arith.constant 0 : index
    %get3A_18 = arith.constant 0 : index
    %get3A_19 = vector.load %arg1[%get3A_17, %get3A_18] : memref<1024x512xf32, #tpu.memory_space<vmem>>, vector<1024x512xf32>
    %sub3A_20 = vector.broadcast %mul3A_3 : vector<1x512xf32> to vector<1024x512xf32>
    %sub3A_21 = arith.subf %get3A_19, %sub3A_20 : vector<1024x512xf32>
    %mul3A_22 = vector.broadcast %mul3A_16 : vector<1x512xf32> to vector<1024x512xf32>
    %mul3A_23 = arith.mulf %sub3A_21, %mul3A_22 : vector<1024x512xf32>
    %get3A_24 = arith.constant 0 : index
    %get3A_25 = arith.constant 0 : index
    %get3A_26 = vector.load %arg4[%get3A_24, %get3A_25] : memref<1x512xf32, #tpu.memory_space<vmem>>, vector<1x512xf32>
    %add3A_27 = vector.broadcast %get3A_26 : vector<1x512xf32> to vector<1024x512xf32>
    %add3A_28 = arith.addf %mul3A_23, %add3A_27 : vector<1024x512xf32>
    %get3A_29 = arith.constant 0 : index
    %get3A_30 = arith.constant 0 : index
    %get3A_31 = vector.load %arg5[%get3A_29, %get3A_30] : memref<512x256xf32, #tpu.memory_space<vmem>>, vector<512x256xf32>
    %dot_general3A = arith.constant dense<0.000000e+00> : vector<1024x256xf32>
    %dot_general3A_32 = tpu.matmul %add3A_28, %get3A_31, %dot_general3A {dimension_numbers = #tpu.dot_dimension_numbers<[1], [0], [0], [1], [0, 0, 1, 1], [], []>, transpose_lhs_hint = false} : vector<1024x512xf32>, vector<512x256xf32>, vector<1024x256xf32> -> vector<1024x256xf32>
    %get3A_33 = arith.constant 0 : index
    %get3A_34 = arith.constant 0 : index
    %get3A_35 = vector.load %arg6[%get3A_33, %get3A_34] : memref<1x256xf32, #tpu.memory_space<vmem>>, vector<1x256xf32>
    %add3A_36 = vector.broadcast %get3A_35 : vector<1x256xf32> to vector<1024x256xf32>
    %add3A_37 = arith.addf %dot_general3A_32, %add3A_36 : vector<1024x256xf32>
    %max3A = arith.constant 0.000000e+00 : f32
    %max3A_38 = vector.broadcast %max3A : f32 to vector<1024x256xf32>
    %max3A_39 = arith.maximumf %add3A_37, %max3A_38 : vector<1024x256xf32>
    %swap3A = arith.constant 0 : index
    %swap3A_40 = arith.constant 0 : index
    %swap3A_41 = vector.load %arg7[%swap3A, %swap3A_40] : memref<1024x256xf32, #tpu.memory_space<vmem>>, vector<1024x256xf32>
    tpu.vector_store %arg7[%swap3A, %swap3A_40], %max3A_39 {strides = array<i32>} : memref<1024x256xf32, #tpu.memory_space<vmem>>, vector<1024x256xf32>,
    %eq3A = arith.constant 0 : i32
    %eq3A_42 = arith.cmpi eq, %arg0, %eq3A : i32
    %convert_element_type3A = arith.extui %eq3A_42 : i1 to i32
    %cond3A = arith.constant 0 : i32
    %cond3A_43 = arith.cmpi ne, %convert_element_type3A, %cond3A : i32
    scf.if %cond3A_43 {
      %broadcast_in_dim3A_58 = arith.constant 0.000000e+00 : f32
      %broadcast_in_dim3A_59 = vector.broadcast %broadcast_in_dim3A_58 : f32 to vector<8x256xf32>
      %swap3A_60 = arith.constant 0 : index
      %swap3A_61 = arith.constant 0 : index
      %swap3A_62 = vector.load %arg8[%swap3A_60, %swap3A_61] : memref<8x256xf32, #tpu.memory_space<vmem>>, vector<8x256xf32>
      tpu.vector_store %arg8[%swap3A_60, %swap3A_61], %broadcast_in_dim3A_59 {strides = array<i32>} : memref<8x256xf32, #tpu.memory_space<vmem>>, vector<8x256xf32>,
    } else {
    }
    %get3A_44 = arith.constant 0 : index
    %get3A_45 = arith.constant 0 : index
    %get3A_46 = vector.load %arg8[%get3A_44, %get3A_45] : memref<8x256xf32, #tpu.memory_space<vmem>>, vector<8x256xf32>
    %reduce_sum3A = arith.constant dense<0.000000e+00> : vector<256xf32>
    %reduce_sum3A_47 = vector.multi_reduction <add>, %max3A_39, %reduce_sum3A [0] : vector<1024x256xf32> to vector<256xf32>
    %broadcast_in_dim3A = vector.shape_cast %reduce_sum3A_47 : vector<256xf32> to vector<1x256xf32>
    %mul3A_48 = arith.mulf %max3A_39, %max3A_39 : vector<1024x256xf32>
    %reduce_sum3A_49 = arith.constant dense<0.000000e+00> : vector<256xf32>
    %reduce_sum3A_50 = vector.multi_reduction <add>, %mul3A_48, %reduce_sum3A_49 [0] : vector<1024x256xf32> to vector<256xf32>
    %broadcast_in_dim3A_51 = vector.shape_cast %reduce_sum3A_50 : vector<256xf32> to vector<1x256xf32>
    %broadcast_in_dim3A_52 = arith.constant 0.000000e+00 : f32
    %broadcast_in_dim3A_53 = vector.broadcast %broadcast_in_dim3A_52 : f32 to vector<6x256xf32>
    %concatenate3A = tpu.concatenate %broadcast_in_dim3A, %broadcast_in_dim3A_51, %broadcast_in_dim3A_53 in 0 : vector<1x256xf32>, vector<1x256xf32>, vector<6x256xf32> -> vector<8x256xf32>
    %add3A_54 = arith.addf %get3A_46, %concatenate3A : vector<8x256xf32>
    %swap3A_55 = arith.constant 0 : index
    %swap3A_56 = arith.constant 0 : index
    %swap3A_57 = vector.load %arg8[%swap3A_55, %swap3A_56] : memref<8x256xf32, #tpu.memory_space<vmem>>, vector<8x256xf32>
    tpu.vector_store %arg8[%swap3A_55, %swap3A_56], %add3A_54 {strides = array<i32>} : memref<8x256xf32, #tpu.memory_space<vmem>>, vector<8x256xf32>,
    return
  }
  func.func @transform_0(%arg0: i32) -> (i32, i32) {
    %c0_i32 = arith.constant 0 : i32
    %c0_i32_0 = arith.constant 0 : i32
    return %arg0, %c0_i32 : i32, i32
  }
  func.func @transform_1(%arg0: i32) -> (i32, i32) {
    %c0_i32 = arith.constant 0 : i32
    %c0_i32_0 = arith.constant 0 : i32
    %c0_i32_1 = arith.constant 0 : i32
    return %c0_i32, %c0_i32_0 : i32, i32
  }
  func.func @transform_2(%arg0: i32) -> (i32, i32) {
    %c0_i32 = arith.constant 0 : i32
    %c0_i32_0 = arith.constant 0 : i32
    %c0_i32_1 = arith.constant 0 : i32
    return %c0_i32, %c0_i32_0 : i32, i32
  }
  func.func @transform_3(%arg0: i32) -> (i32, i32) {
    %c0_i32 = arith.constant 0 : i32
    %c0_i32_0 = arith.constant 0 : i32
    %c0_i32_1 = arith.constant 0 : i32
    return %c0_i32, %c0_i32_0 : i32, i32
  }
  func.func @transform_4(%arg0: i32) -> (i32, i32) {
    %c0_i32 = arith.constant 0 : i32
    %c0_i32_0 = arith.constant 0 : i32
    %c0_i32_1 = arith.constant 0 : i32
    return %c0_i32, %c0_i32_0 : i32, i32
  }
  func.func @transform_5(%arg0: i32) -> (i32, i32) {
    %c0_i32 = arith.constant 0 : i32
    %c0_i32_0 = arith.constant 0 : i32
    %c0_i32_1 = arith.constant 0 : i32
    return %c0_i32, %c0_i32_0 : i32, i32
  }
  func.func @transform_6(%arg0: i32) -> (i32, i32) {
    %c0_i32 = arith.constant 0 : i32
    %c0_i32_0 = arith.constant 0 : i32
    return %arg0, %c0_i32 : i32, i32
  }
  func.func @transform_7(%arg0: i32) -> (i32, i32) {
    %c0_i32 = arith.constant 0 : i32
    %c0_i32_0 = arith.constant 0 : i32
    %c0_i32_1 = arith.constant 0 : i32
    return %c0_i32, %c0_i32_0 : i32, i32
  }
}

module attributes {stable_mosaic.version = 14 : i64} {
  func.func @_fin_body(%arg0: i32, %arg1: memref<1024x256xf32, #tpu.memory_space<vmem>>, %arg2: memref<8x256xf32, #tpu.memory_space<vmem>>, %arg3: memref<1x256xf32, #tpu.memory_space<vmem>>, %arg4: memref<1x256xf32, #tpu.memory_space<vmem>>, %arg5: memref<256x1xf32, #tpu.memory_space<vmem>>, %arg6: memref<1024x128xf32, #tpu.memory_space<vmem>>, %arg7: memref<128x32xf32, #tpu.memory_space<vmem>>, %arg8: memref<1x32xf32, #tpu.memory_space<vmem>>, %arg9: memref<32x1xf32, #tpu.memory_space<vmem>>, %arg10: memref<1x1xf32, #tpu.memory_space<vmem>>, %arg11: memref<1024x1xf32, #tpu.memory_space<vmem>>) attributes {dimension_semantics = [#tpu.dimension_semantics<arbitrary>], iteration_bounds = array<i64: 16>, scalar_prefetch = 0 : i64, scratch_operands = 0 : i64, tpu.core_type = #tpu.core_type<tc>, window_params = [{transform_indices = @transform_0, window_bounds = array<i64: 1024, 256>}, {pipeline_mode = #tpu.pipeline_mode<synchronous>, transform_indices = @transform_1, window_bounds = array<i64: 8, 256>}, {pipeline_mode = #tpu.pipeline_mode<synchronous>, transform_indices = @transform_2, window_bounds = array<i64: 1, 256>}, {pipeline_mode = #tpu.pipeline_mode<synchronous>, transform_indices = @transform_3, window_bounds = array<i64: 1, 256>}, {pipeline_mode = #tpu.pipeline_mode<synchronous>, transform_indices = @transform_4, window_bounds = array<i64: 256, 1>}, {transform_indices = @transform_5, window_bounds = array<i64: 1024, 128>}, {pipeline_mode = #tpu.pipeline_mode<synchronous>, transform_indices = @transform_6, window_bounds = array<i64: 128, 32>}, {pipeline_mode = #tpu.pipeline_mode<synchronous>, transform_indices = @transform_7, window_bounds = array<i64: 1, 32>}, {pipeline_mode = #tpu.pipeline_mode<synchronous>, transform_indices = @transform_8, window_bounds = array<i64: 32, 1>}, {pipeline_mode = #tpu.pipeline_mode<synchronous>, transform_indices = @transform_9, window_bounds = array<i64: 1, 1>}, {transform_indices = @transform_10, window_bounds = array<i64: 1024, 1>}]} {
    %get3A = arith.constant 0 : index
    %get3A_0 = arith.constant 0 : index
    %get3A_1 = vector.load %arg2[%get3A, %get3A_0] : memref<8x256xf32, #tpu.memory_space<vmem>>, vector<1x256xf32>
    %mul3A = arith.constant 6.10351563E-5 : f32
    %mul3A_2 = vector.broadcast %mul3A : f32 to vector<1x256xf32>
    %mul3A_3 = arith.mulf %get3A_1, %mul3A_2 : vector<1x256xf32>
    %get3A_4 = arith.constant 1 : index
    %get3A_5 = arith.constant 0 : index
    %get3A_6 = vector.load %arg2[%get3A_4, %get3A_5] : memref<8x256xf32, #tpu.memory_space<vmem>>, vector<1x256xf32>
    %mul3A_7 = arith.constant 6.10351563E-5 : f32
    %mul3A_8 = vector.broadcast %mul3A_7 : f32 to vector<1x256xf32>
    %mul3A_9 = arith.mulf %get3A_6, %mul3A_8 : vector<1x256xf32>
    %mul3A_10 = arith.mulf %mul3A_3, %mul3A_3 : vector<1x256xf32>
    %sub3A = arith.subf %mul3A_9, %mul3A_10 : vector<1x256xf32>
    %get3A_11 = arith.constant 0 : index
    %get3A_12 = arith.constant 0 : index
    %get3A_13 = vector.load %arg3[%get3A_11, %get3A_12] : memref<1x256xf32, #tpu.memory_space<vmem>>, vector<1x256xf32>
    %add3A = arith.constant 9.99999974E-6 : f32
    %add3A_14 = vector.broadcast %add3A : f32 to vector<1x256xf32>
    %add3A_15 = arith.addf %sub3A, %add3A_14 : vector<1x256xf32>
    %rsqrt3A = math.rsqrt %add3A_15 : vector<1x256xf32>
    %mul3A_16 = arith.mulf %get3A_13, %rsqrt3A : vector<1x256xf32>
    %get3A_17 = arith.constant 0 : index
    %get3A_18 = arith.constant 0 : index
    %get3A_19 = vector.load %arg1[%get3A_17, %get3A_18] : memref<1024x256xf32, #tpu.memory_space<vmem>>, vector<1024x256xf32>
    %sub3A_20 = vector.broadcast %mul3A_3 : vector<1x256xf32> to vector<1024x256xf32>
    %sub3A_21 = arith.subf %get3A_19, %sub3A_20 : vector<1024x256xf32>
    %mul3A_22 = vector.broadcast %mul3A_16 : vector<1x256xf32> to vector<1024x256xf32>
    %mul3A_23 = arith.mulf %sub3A_21, %mul3A_22 : vector<1024x256xf32>
    %get3A_24 = arith.constant 0 : index
    %get3A_25 = arith.constant 0 : index
    %get3A_26 = vector.load %arg4[%get3A_24, %get3A_25] : memref<1x256xf32, #tpu.memory_space<vmem>>, vector<1x256xf32>
    %add3A_27 = vector.broadcast %get3A_26 : vector<1x256xf32> to vector<1024x256xf32>
    %add3A_28 = arith.addf %mul3A_23, %add3A_27 : vector<1024x256xf32>
    %get3A_29 = arith.constant 0 : index
    %get3A_30 = arith.constant 0 : index
    %get3A_31 = vector.load %arg5[%get3A_29, %get3A_30] : memref<256x1xf32, #tpu.memory_space<vmem>>, vector<256x1xf32>
    %dot_general3A = arith.constant dense<0.000000e+00> : vector<1024x1xf32>
    %dot_general3A_32 = tpu.matmul %add3A_28, %get3A_31, %dot_general3A {dimension_numbers = #tpu.dot_dimension_numbers<[1], [0], [0], [1], [0, 0, 1, 1], [], []>, transpose_lhs_hint = false} : vector<1024x256xf32>, vector<256x1xf32>, vector<1024x1xf32> -> vector<1024x1xf32>
    %get3A_33 = arith.constant 0 : index
    %get3A_34 = arith.constant 0 : index
    %get3A_35 = vector.load %arg6[%get3A_33, %get3A_34] : memref<1024x128xf32, #tpu.memory_space<vmem>>, vector<1024x128xf32>
    %get3A_36 = arith.constant 0 : index
    %get3A_37 = arith.constant 0 : index
    %get3A_38 = vector.load %arg7[%get3A_36, %get3A_37] : memref<128x32xf32, #tpu.memory_space<vmem>>, vector<128x32xf32>
    %dot_general3A_39 = arith.constant dense<0.000000e+00> : vector<1024x32xf32>
    %dot_general3A_40 = tpu.matmul %get3A_35, %get3A_38, %dot_general3A_39 {dimension_numbers = #tpu.dot_dimension_numbers<[1], [0], [0], [1], [0, 0, 1, 1], [], []>, transpose_lhs_hint = false} : vector<1024x128xf32>, vector<128x32xf32>, vector<1024x32xf32> -> vector<1024x32xf32>
    %get3A_41 = arith.constant 0 : index
    %get3A_42 = arith.constant 0 : index
    %get3A_43 = vector.load %arg8[%get3A_41, %get3A_42] : memref<1x32xf32, #tpu.memory_space<vmem>>, vector<1x32xf32>
    %add3A_44 = vector.broadcast %get3A_43 : vector<1x32xf32> to vector<1024x32xf32>
    %add3A_45 = arith.addf %dot_general3A_40, %add3A_44 : vector<1024x32xf32>
    %max3A = arith.constant 0.000000e+00 : f32
    %max3A_46 = vector.broadcast %max3A : f32 to vector<1024x32xf32>
    %max3A_47 = arith.maximumf %add3A_45, %max3A_46 : vector<1024x32xf32>
    %get3A_48 = arith.constant 0 : index
    %get3A_49 = arith.constant 0 : index
    %get3A_50 = vector.load %arg9[%get3A_48, %get3A_49] : memref<32x1xf32, #tpu.memory_space<vmem>>, vector<32x1xf32>
    %dot_general3A_51 = arith.constant dense<0.000000e+00> : vector<1024x1xf32>
    %dot_general3A_52 = tpu.matmul %max3A_47, %get3A_50, %dot_general3A_51 {dimension_numbers = #tpu.dot_dimension_numbers<[1], [0], [0], [1], [0, 0, 1, 1], [], []>, transpose_lhs_hint = false} : vector<1024x32xf32>, vector<32x1xf32>, vector<1024x1xf32> -> vector<1024x1xf32>
    %add3A_53 = arith.addf %dot_general3A_32, %dot_general3A_52 : vector<1024x1xf32>
    %get3A_54 = arith.constant 0 : index
    %get3A_55 = arith.constant 0 : index
    %get3A_56 = vector.load %arg10[%get3A_54, %get3A_55] : memref<1x1xf32, #tpu.memory_space<vmem>>, vector<1x1xf32>
    %add3A_57 = vector.broadcast %get3A_56 : vector<1x1xf32> to vector<1024x1xf32>
    %add3A_58 = arith.addf %add3A_53, %add3A_57 : vector<1024x1xf32>
    %logistic3A = arith.negf %add3A_58 : vector<1024x1xf32>
    %logistic3A_59 = math.exp %logistic3A : vector<1024x1xf32>
    %logistic3A_60 = arith.constant 1.000000e+00 : f32
    %logistic3A_61 = vector.broadcast %logistic3A_60 : f32 to vector<1024x1xf32>
    %logistic3A_62 = arith.addf %logistic3A_61, %logistic3A_59 : vector<1024x1xf32>
    %logistic3A_63 = arith.divf %logistic3A_61, %logistic3A_62 : vector<1024x1xf32>
    %swap3A = arith.constant 0 : index
    %swap3A_64 = arith.constant 0 : index
    %swap3A_65 = vector.load %arg11[%swap3A, %swap3A_64] : memref<1024x1xf32, #tpu.memory_space<vmem>>, vector<1024x1xf32>
    tpu.vector_store %arg11[%swap3A, %swap3A_64], %logistic3A_63 {strides = array<i32>} : memref<1024x1xf32, #tpu.memory_space<vmem>>, vector<1024x1xf32>,
    return
  }
  func.func @transform_0(%arg0: i32) -> (i32, i32) {
    %c0_i32 = arith.constant 0 : i32
    %c0_i32_0 = arith.constant 0 : i32
    return %arg0, %c0_i32 : i32, i32
  }
  func.func @transform_1(%arg0: i32) -> (i32, i32) {
    %c0_i32 = arith.constant 0 : i32
    %c0_i32_0 = arith.constant 0 : i32
    %c0_i32_1 = arith.constant 0 : i32
    return %c0_i32, %c0_i32_0 : i32, i32
  }
  func.func @transform_2(%arg0: i32) -> (i32, i32) {
    %c0_i32 = arith.constant 0 : i32
    %c0_i32_0 = arith.constant 0 : i32
    %c0_i32_1 = arith.constant 0 : i32
    return %c0_i32, %c0_i32_0 : i32, i32
  }
  func.func @transform_3(%arg0: i32) -> (i32, i32) {
    %c0_i32 = arith.constant 0 : i32
    %c0_i32_0 = arith.constant 0 : i32
    %c0_i32_1 = arith.constant 0 : i32
    return %c0_i32, %c0_i32_0 : i32, i32
  }
  func.func @transform_4(%arg0: i32) -> (i32, i32) {
    %c0_i32 = arith.constant 0 : i32
    %c0_i32_0 = arith.constant 0 : i32
    %c0_i32_1 = arith.constant 0 : i32
    return %c0_i32, %c0_i32_0 : i32, i32
  }
  func.func @transform_5(%arg0: i32) -> (i32, i32) {
    %c0_i32 = arith.constant 0 : i32
    %c0_i32_0 = arith.constant 0 : i32
    return %arg0, %c0_i32 : i32, i32
  }
  func.func @transform_6(%arg0: i32) -> (i32, i32) {
    %c0_i32 = arith.constant 0 : i32
    %c0_i32_0 = arith.constant 0 : i32
    %c0_i32_1 = arith.constant 0 : i32
    return %c0_i32, %c0_i32_0 : i32, i32
  }
  func.func @transform_7(%arg0: i32) -> (i32, i32) {
    %c0_i32 = arith.constant 0 : i32
    %c0_i32_0 = arith.constant 0 : i32
    %c0_i32_1 = arith.constant 0 : i32
    return %c0_i32, %c0_i32_0 : i32, i32
  }
  func.func @transform_8(%arg0: i32) -> (i32, i32) {
    %c0_i32 = arith.constant 0 : i32
    %c0_i32_0 = arith.constant 0 : i32
    %c0_i32_1 = arith.constant 0 : i32
    return %c0_i32, %c0_i32_0 : i32, i32
  }
  func.func @transform_9(%arg0: i32) -> (i32, i32) {
    %c0_i32 = arith.constant 0 : i32
    %c0_i32_0 = arith.constant 0 : i32
    %c0_i32_1 = arith.constant 0 : i32
    return %c0_i32, %c0_i32_0 : i32, i32
  }
  func.func @transform_10(%arg0: i32) -> (i32, i32) {
    %c0_i32 = arith.constant 0 : i32
    %c0_i32_0 = arith.constant 0 : i32
    return %arg0, %c0_i32 : i32, i32
  }
}

</mosaic_0001>

<sc_bundles>
// kernel: kernel.8.cloned.1.call-start
scs
__scs_entry_jumppad:
0x0: {  	(pc) =	sbr.rel $0x88, $3  }
0x1: {  	(tag) =	ssettag $0x0;
	lr =	simm.s32 $0x1  }
0x2: {  	[smem:$0x3F89] =	sst lr;
	_ =	strace $0xD0000000  }
0x3: {  	_ = 	snop  }
0x4: {  	_ = 	snop  }
0x5: {  	_ = 	snop  }
0x6: {  	_ = 	snop  }
0x7: {  	_ = 	snop  }
__scs_overlays_trampoline_lowered:
0x8: {  	[smem:$0x3F98] =	sst s0  }
0x9: {  	[smem:$0x3F99] =	sst s1  }
0xa: {  	[smem:$0x3F9A] =	sst s2  }
0xb: {  	[smem:$0x3F9B] =	sst s3  }
0xc: {  	[smem:$0x3F9C] =	sst s4  }
0xd: {  	[smem:$0x3F9D] =	sst s5  }
0xe: {  	[smem:$0x3F9E] =	sst s6  }
0xf: {  	[smem:$0x3F9F] =	sst s7  }
0x10: {  	[smem:$0x3FA0] =	sst s8  }
0x11: {  	[smem:$0x3FA1] =	sst s9;
	s0 =	simm.s32 @!p0 $0x0  }
0x12: {  	s1 =	sld [smem:$0x3F87];
	s0 =	simm.s32 @p0 $0x1  }
0x13: {  	[smem:$0x3FA2] =	sst s0;
	s0 =	simm.s32 @!p1 $0x0  }
0x14: {  	s2 =	sld [smem:$0x3F86];
	s0 =	simm.s32 @p1 $0x1  }
0x15: {  	[smem:$0x3FA3] =	sst s0;
	s0 =	simm.s32 @!p2 $0x0  }
0x16: {  	s3 =	sld [smem:$0x3FDB];
	s0 =	simm.s32 @p2 $0x1  }
0x17: {  	s4 =	simm.s32 $0x1BF5;
	[smem:$0x3FA5] =	sst s0  }
0x18: {  	s0 =	sld [smem:$0x3F88];
	_ =	swait.ge [sflag:s4], $0x0  }
0x19: {  	s7 =	sld [smem:$0x3F89]  }
0x1a: {  	s8 =	sadd.s32 $0xFFFFE003, lr  }
0x1b: {  	s9 =	sadd.s32 $0xFFFFFEF7, lr;
	s5 =	simm.s32 $0xFFFFFFFF;
	p2 =	slt.u32 s8, $0xFFFFF086  }
0x1c: {  	p1 =	slt.u32 s9, $0xF7A;
	s5 =	simm.s32 @!p2 $0x0  }
0x1d: {  	s5 =	simm.s32 @p1 $0x1;
	p0 =	seq.s32 s7, s2  }
0x1e: {  	s7 =	smul.u32 @!p0 $0xF7A, s2;
	p2 =	seq.s32 @!p0 s5, $0x0  }
0x1f: {  	s9 =	smul.u32 $0xF7A, s1;
	s8 =	simm.s32 @!p0 $0x1BF5;
	p2 =	por !p2, p0  }
0x20: {  	[sflag:s8] =	ssyncset.s32 @!p0 $0xFFFFF086;
	s6 =	sadd.s32 @!p0 s3, s7;
	s7 =	simm.s32 @!p0 $0x108  }
0x21: {  	s3 =	sadd.s32 s3, s9;
	s6 =	sadd.s32 @!p0 $0x88, s6;
	s7 =	simm.s32 @p2 $0x1082  }
0x22: {  	[simem:s7], [sflag:s8] =	dma.local @!p0 [hbm:s6], $0xF7A  }
0x23: {  	s9 =	sor.u32 $0xD0000000, s2;
	s6 =	simm.s32 $0x108;
	_ =	swait.ge @!p0 [sflag:s8], $0x0  }
0x24: {  	s3 =	sadd.s32 $0x88, s3;
	s6 =	simm.s32 @!p1 $0x1082;
	[sflag:s4] =	ssyncset.s32 $0xFFFFF086  }
0x25: {  	[simem:s6], [sflag:s4] =	dma.local [hbm:s3], $0xF7A  }
0x26: {  	[smem:$0x3F89] =	sst s1;
	(tag) =	ssettag s2;
	_ =	strace s9  }
0x27: {  	s1 =	sld [smem:$0x3F99]  }
0x28: {  	s2 =	sld [smem:$0x3F9A]  }
0x29: {  	s4 =	sld [smem:$0x3F9C]  }
0x2a: {  	p0 =	seq.s32 s5, $0x0;
	s5 =	sld [smem:$0x3F9D]  }
0x2b: {  	s6 =	sld [smem:$0x3F9E]  }
0x2c: {  	s7 =	sld [smem:$0x3F9F]  }
0x2d: {  	s3 =	simm.s32 $0x108;
	s8 =	sld [smem:$0x3FA0]  }
0x2e: {  	s3 =	simm.s32 @!p0 $0x1082;
	s9 =	sld [smem:$0x3FA1]  }
0x2f: {  	lr =	sadd.s32 s0, s3;
	s0 =	sld [smem:$0x3F98]  }
0x30: {  	s3 =	sld [smem:$0x3F9B]  }
0x31: {  	[smem:$0x3FA4] =	sst s10  }
0x32: {  	s10 =	sld [smem:$0x3FA2];
	_ =	sdelay $0x3  }
0x33: {  	p0 =	seq.s32 s10, $0x1;
	s10 =	sld [smem:$0x3FA4];
	_ =	sdelay $0x3  }
0x34: {  	[smem:$0x3FA4] =	sst s10  }
0x35: {  	s10 =	sld [smem:$0x3FA3];
	_ =	sdelay $0x3  }
0x36: {  	p1 =	seq.s32 s10, $0x1;
	s10 =	sld [smem:$0x3FA4];
	_ =	sdelay $0x3  }
0x37: {  	[smem:$0x3FA4] =	sst s10  }
0x38: {  	s10 =	sld [smem:$0x3FA5]  }
0x39: {  	_ = 	snop;
	(pc) =	sbr.ind lr, $3  }
0x3a: {  	_ = 	snop  }
0x3b: {  	_ = 	snop  }
0x3c: {  	p2 =	seq.s32 s10, $0x1;
	s10 =	sld [smem:$0x3FA4]  }
0x3d: {  	_ =	shalt  }
0x3e: {  	_ =	shalt  }
0x3f: {  	_ =	shalt  }
0x40: {  	_ =	shalt  }
0x41: {  	_ =	shalt  }
0x42: {  	_ =	shalt  }
0x43: {  	_ =	shalt  }
0x44: {  	_ =	shalt  }
0x45: {  	_ =	shalt  }
0x46: {  	_ =	shalt  }
0x47: {  	_ =	shalt  }
0x48: {  	_ =	shalt  }
0x49: {  	_ =	shalt  }
0x4a: {  	_ =	shalt  }
0x4b: {  	_ =	shalt  }
0x4c: {  	_ =	shalt  }
0x4d: {  	_ =	shalt  }
0x4e: {  	_ =	shalt  }
0x4f: {  	_ =	shalt  }
0x50: {  	_ =	shalt  }
0x51: {  	_ =	shalt  }
0x52: {  	_ =	shalt  }
0x53: {  	_ =	shalt  }
0x54: {  	_ =	shalt  }
0x55: {  	_ =	shalt  }
0x56: {  	_ =	shalt  }
0x57: {  	_ =	shalt  }
0x58: {  	_ =	shalt  }
0x59: {  	_ =	shalt  }
0x5a: {  	_ =	shalt  }
0x5b: {  	_ =	shalt  }
0x5c: {  	_ =	shalt  }
0x5d: {  	_ =	shalt  }
0x5e: {  	_ =	shalt  }
0x5f: {  	_ =	shalt  }
0x60: {  	_ =	shalt  }
0x61: {  	_ =	shalt  }
0x62: {  	_ =	shalt  }
0x63: {  	_ =	shalt  }
0x64: {  	_ =	shalt  }
0x65: {  	_ =	shalt  }
0x66: {  	_ =	shalt  }
0x67: {  	_ =	shalt  }
0x68: {  	_ =	shalt  }
0x69: {  	_ =	shalt  }
0x6a: {  	_ =	shalt  }
0x6b: {  	_ =	shalt  }
0x6c: {  	_ =	shalt  }
0x6d: {  	_ =	shalt  }
0x6e: {  	_ =	shalt  }
0x6f: {  	_ =	shalt  }
0x70: {  	_ =	shalt  }
0x71: {  	_ =	shalt  }
0x72: {  	_ =	shalt  }
0x73: {  	_ =	shalt  }
0x74: {  	_ =	shalt  }
0x75: {  	_ =	shalt  }
0x76: {  	_ =	shalt  }
0x77: {  	_ =	shalt  }
0x78: {  	_ =	shalt  }
0x79: {  	_ =	shalt  }
0x7a: {  	_ =	shalt  }
0x7b: {  	_ =	shalt  }
0x7c: {  	_ =	shalt  }
0x7d: {  	_ =	shalt  }
0x7e: {  	_ =	shalt  }
0x7f: {  	_ =	shalt  }
0x80: {  	_ =	shalt  }
0x81: {  	_ =	shalt  }
0x82: {  	_ =	shalt  }
0x83: {  	_ =	shalt  }
0x84: {  	_ =	shalt  }
0x85: {  	_ =	shalt  }
0x86: {  	_ =	shalt  }
0x87: {  	_ =	shalt  }
.Lfunc_end0:
.L_simem_size_0:
called_computation_lowered:
.L_overlay_start_0:
0x88: {  	s2 =	sld [smem:$0x3FD9]  }
0x89: {  	s3 =	sld [smem:$0x3FFE];
	_ =	sdelay $0x1  }
0x8a: {  	s1 =	srdreg.scid  }
0x8b: {  	s0 =	sand.u32 $0x1, s1  }
0x8c: {  	s16 =	sshll.u32 s0, $0xA;
	s2 =	sadd.s32 s3, s2  }
0x8d: {  	s2 =	sadd.s32 s2, s16  }
0x8e: {  	[smem:$0x3FB0] =	sst s2  }
0x8f: {  	_ = 	snop  }
0x90: {  	(tm) =	ssettm $0x1  }
0x91: {  	s17 =	sld [smem:$0x3FFB];
	_ =	sdelay $0x3  }
0x92: {  	_ =	strace s17  }
0x93: {  	s2 =	sld [smem:$0x3FFC];
	_ =	sdelay $0x3  }
0x94: {  	_ =	strace s2  }
0x95: {  	s2 =	sld [smem:$0x3FFD];
	_ =	sdelay $0x3  }
0x96: {  	_ =	strace s2  }
0x97: {  	_ =	strace $0x8FFFFFFF  }
0x98: {  	s18 =	sld [smem:$0x3FDB];
	_ =	sdelay $0x1  }
0x99: {  	s19 =	simm.s32 $_scs_section_size  }
0x9a: {  	s4 =	simm.s32 $_size__tile_overlayer_lowered;
	s5 =	simm.s32 $_tile_overlayer_lowered  }
0x9b: {  	s22 =	simm.s32 $0x1BFF;
	s21 =	sshll.u32 s5, $0x1;
	s2 =	sadd.s32 s19, s18  }
0x9c: {  	s6 =	simm.s32 $0x0;
	s20 =	sshll.u32 s4, $0x1;
	s4 =	sadd.s32 s21, s2  }
0x9d: {  	[timem:s6], [sflag:s22] =	dma.local [hbm:s4], s20  }
0x9e: {  	_ =	swait.ge [sflag:s22], s20  }
0x9f: {  	s3 =	ssub.s32 $0x0, s20;
	[sflag:s22] =	ssyncset.done $0x0  }
0xa0: {  	[sflag:s22] =	ssyncadd.s32 s3;
	_ =	sdelay $0x1  }
0xa1: {  	s23 =	simm.s32 $0x1B8B  }
0xa2: {  	_ =	swait.ge [sflag:s23], $0x1  }
0xa3: {  	[sflag:s23] =	ssyncset.done $0x0  }
0xa4: {  	s25 =	simm.s32 $0x1B8E;
	s24 =	sld [smem:$0x3FFE];
	[sflag:s23] =	ssyncadd.s32 $0xFFFFFFFF  }
0xa5: {  	s26 =	simm.s32 $execute0_lowered;
	[smem:$0x3FD2] =	sst s25  }
0xa6: {  	s4 =	sshll.u32 s26, $0x1;
	_ =	strace $0x80000046;
	[dreg:$0x1] =	wrdreg $0xFFFFFFFF  }
0xa7: {  	s28 =	simm.s32 $_size_execute0_lowered;
	s2 =	sadd.s32 s2, s4;
	[dreg:$0x0] =	wrdreg $0x0  }
0xa8: {  	s4 =	sshll.u32 s28, $0x1;
	[dreg:$0x2] =	wrdreg s2  }
0xa9: {  	[dreg:$0x3] =	wrdreg s4  }
0xaa: {  	[dreg:$0x4] =	wrdreg $0xC0  }
0xab: {  	_ =	task [dreg:s6], $0x5FFFF  }
0xac: {  	[dreg:$0x1] =	wrdreg $0xFFFFFFFF  }
0xad: {  	[dreg:$0x0] =	wrdreg $0x60  }
0xae: {  	[dreg:$0x2] =	wrdreg s24  }
0xaf: {  	[dreg:$0x3] =	wrdreg $0x9  }
0xb0: {  	_ =	task.clear_ibuf [dreg:s6], $0x4FFFF;
	_ =	strace $0x90000046  }
0xb1: {  	s29 =	simm.s32 $0x9;
	_ =	strace $0x80000048  }
0xb2: {  	_ =	swait.ge [sflag:s29], $0x1  }
0xb3: {  	[sflag:s29] =	ssyncadd.s32 $0xFFFFFFFF  }
0xb4: {  	_ =	strace $0x90000048  }
0xb5: {  	_ =	sfence  }
0xb6: {  	s30 =	sld [smem:$0x0];
	_ =	sdelay $0x2  }
0xb7: {  	s31 =	sshll.u32 s1, $0xD;
	s1 =	sshrl.u32 s1, $0x2  }
0xb8: {  	s3 =	sand.u32 $0x4000, s31;
	s1 =	sadd.s32 s1, s30  }
0xb9: {  	s0 =	sor.u32 s3, s0;
	s1 =	sshll.u32 s1, $0x11  }
0xba: {  	s0 =	sor.u32 s1, s0  }
0xbb: {  	s0 =	sadd.s32 $0x8F2B, s0  }
0xbc: {  	[sflag:s0] =	ssyncadd.remote.s32 $0x1  }
0xbd: {  	_ =	sfence.sel $0xFFFF  }
0xbe: {  	[dreg:$0x0] =	wrdreg $0xFFFFFFFF;
	(pc) =	sbr.abs _section_cstart, $3  }
0xbf: {  	[dreg:$0x1] =	wrdreg $0xFFFFFFFF  }
0xc0: {  	_ =	task.clear_ibuf [dreg:s6], $0x2FFFF;
	_ =	strace $0x9FFFFFFF  }
0xc1: {  	(tm) =	ssettm $0x7FFFFFFF  }
tec
execute0_lowered:
.L_overlay_start_1:
0x0: {  	(tag) =	ssettag $0x1  }
0x1: {  	v0 =	vlaneseq.u32  }
0x2: {  	v1 =	vmul.u32 $0x20, v0;
	_ =	sdelay $0x1  }
0x3: {  	v0 =	vor.u32 $0x1, v1  }
0x4: {  	[tilespmem:$0x1FE10] =	vst v0;
	v0 =	vor.u32 $0x2, v1  }
0x5: {  	[tilespmem:$0x1FE20] =	vst v0;
	v0 =	vor.u32 $0x3, v1  }
0x6: {  	[tilespmem:$0x1FE30] =	vst v0;
	v0 =	vor.u32 $0x4, v1  }
0x7: {  	[tilespmem:$0x1FE40] =	vst v0;
	v0 =	vor.u32 $0x5, v1  }
0x8: {  	[tilespmem:$0x1FE50] =	vst v0;
	v0 =	vor.u32 $0x6, v1  }
0x9: {  	[tilespmem:$0x1FE60] =	vst v0;
	v0 =	vor.u32 $0x7, v1  }
0xa: {  	[tilespmem:$0x1FE70] =	vst v0;
	v0 =	vor.u32 $0x8, v1  }
0xb: {  	[tilespmem:$0x1FE80] =	vst v0;
	v0 =	vor.u32 $0x9, v1  }
0xc: {  	[tilespmem:$0x1FE90] =	vst v0;
	v0 =	vor.u32 $0xA, v1  }
0xd: {  	[tilespmem:$0x1FEA0] =	vst v0;
	v0 =	vor.u32 $0xB, v1  }
0xe: {  	[tilespmem:$0x1FEB0] =	vst v0;
	v0 =	vor.u32 $0xC, v1  }
0xf: {  	[tilespmem:$0x1FEC0] =	vst v0;
	v0 =	vor.u32 $0xD, v1  }
0x10: {  	s1 =	simm.s32 $0x0;
	[tilespmem:$0x1FED0] =	vst v0;
	v0 =	vor.u32 $0xE, v1  }
0x11: {  	[smem:$0x7FF] =	sst s1;
	[tilespmem:$0x1FEE0] =	vst v0;
	v0 =	vor.u32 $0xF, v1  }
0x12: {  	s0 =	rddreg [dreg:$0x0];
	_ =	strace $0x80000047;
	[tilespmem:$0x1FEF0] =	vst v0;
	v0 =	vor.u32 $0x10, v1  }
0x13: {  	v63 =	vlaneseq.u32;
	[tilespmem:$0x1FF00] =	vst v0;
	v0 =	vor.u32 $0x11, v1  }
0x14: {  	v9 =	vor.u32 $0x200, v1;
	v41 =	vor.u32 $0x201, v1;
	[tilespmem:$0x1FF10] =	vst v0;
	v0 =	vor.u32 $0x12, v1  }
0x15: {  	v42 =	vor.u32 $0x202, v1;
	v43 =	vor.u32 $0x203, v1;
	[tilespmem:$0x1FF20] =	vst v0;
	v0 =	vor.u32 $0x13, v1  }
0x16: {  	v44 =	vor.u32 $0x204, v1;
	v45 =	vor.u32 $0x205, v1;
	[tilespmem:$0x1FF30] =	vst v0;
	v0 =	vor.u32 $0x14, v1  }
0x17: {  	s25 =	srdreg.scid;
	s13 =	simm.s32 $0x3A0;
	s23 =	simm.s32 $0xC0;
	v46 =	vor.u32 $0x206, v1;
	v47 =	vor.u32 $0x207, v1;
	[tilespmem:$0x1FF40] =	vst v0;
	v0 =	vor.u32 $0x15, v1  }
0x18: {  	s6 =	stileid.u32;
	s24 =	simm.s32 $0x63A0;
	s29 =	simm.s32 $0x83A0;
	v48 =	vor.u32 $0x208, v1;
	v49 =	vor.u32 $0x209, v1;
	[tilespmem:$0x1FF50] =	vst v0;
	v0 =	vor.u32 $0x16, v1  }
0x19: {  	s10 =	simm.s32 $0x2;
	s30 =	simm.s32 $0x120;
	s31 =	simm.s32 $0x93A0;
	v50 =	vor.u32 $0x20A, v1;
	v51 =	vor.u32 $0x20B, v1;
	[tilespmem:$0x1FF60] =	vst v0;
	v0 =	vor.u32 $0x17, v1  }
0x1a: {  	s12 =	simm.s32 $0x20;
	s9 =	simm.s32 $0x160;
	s11 =	simm.s32 $0x180;
	v52 =	vor.u32 $0x20C, v1;
	v53 =	vor.u32 $0x20D, v1;
	[tilespmem:$0x1FF70] =	vst v0;
	v0 =	vor.u32 $0x18, v1  }
0x1b: {  	s28 =	simm.s32 $0x100;
	s14 =	simm.s32 $0xC3A0;
	s16 =	simm.s32 $0xD3A0;
	v54 =	vor.u32 $0x20E, v1;
	v55 =	vor.u32 $0x20F, v1;
	[tilespmem:$0x1FF80] =	vst v0;
	v0 =	vor.u32 $0x19, v1  }
0x1c: {  	s15 =	simm.s32 $0x1;
	s18 =	simm.s32 $0x0;
	s2 =	sadd.s32 $0x27B1200, s0;
	v56 =	vor.u32 $0x210, v1;
	v57 =	vor.u32 $0x211, v1;
	[tilespmem:$0x1FF90] =	vst v0;
	v0 =	vor.u32 $0x1A, v1  }
0x1d: {  	s1 =	sand.u32 $0x1, s25;
	s4 =	sadd.s32 $0x4000, s0;
	s5 =	sadd.s32 $0x11000, s0;
	v58 =	vor.u32 $0x212, v1;
	v59 =	vor.u32 $0x213, v1;
	[tilespmem:$0x1FFA0] =	vst v0;
	v0 =	vor.u32 $0x1B, v1  }
0x1e: {  	s8 =	sshll.u32 s6, $0x1;
	s6 =	sadd.s32 $0x21000, s0;
	s3 =	ssub.s32 $0x2, s1;
	v60 =	vor.u32 $0x214, v1;
	v61 =	vor.u32 $0x215, v1;
	[tilespmem:$0x1FFB0] =	vst v0;
	v0 =	vor.u32 $0x1C, v1  }
0x1f: {  	s25 =	simm.s32 $0xE0;
	s1 =	sor.u32 s1, s8;
	s7 =	sshrl.u32 s3, $0x1;
	v62 =	vor.u32 $0x216, v1;
	v10 =	vor.u32 $0x217, v1;
	[tilespmem:$0x1FFC0] =	vst v0;
	v0 =	vor.u32 $0x1D, v1  }
0x20: {  	s8 =	sshll.u32 s1, $0x5;
	v11 =	vor.u32 $0x218, v1;
	v12 =	vor.u32 $0x219, v1;
	s26 =	ssub.s32 s3, s7;
	s7 =	sshll.u32 s1, $0x9;
	[tilespmem:$0x1FFD0] =	vst v0;
	v0 =	vor.u32 $0x1E, v1  }
0x21: {  	v13 =	vor.u32 $0x21A, v1;
	v14 =	vor.u32 $0x21B, v1;
	s3 =	simm.s32 $0xA3A0;
	s1 =	simm.s32 $0xB3A0;
	s0 =	smax.u32 s26, $0x1;
	[tilespmem:$0x1FFE0] =	vst v0;
	v0 =	vor.u32 $0x1F, v1  }
0x22: {  	v15 =	vor.u32 $0x21C, v1;
	v16 =	vor.u32 $0x21D, v1;
	v17 =	vor.u32 $0x21E, v1;
	s26 =	simm.s32 $0x73A0;
	[dreg:$0x2] =	wrdreg s0;
	s0 =	simm.s32 $0x140;
	[tilespmem:$0x1FFF0] =	vst v0  }
.LBB2_1:
0x23: {  	[dreg:$0x3] =	wrdreg s18;
	s17 =	simm.s32 $0x0  }
.LBB2_2:
0x24: {  	s18 =	sadd.s32 s8, s17  }
0x25: {  	s18 =	smul.u32 $0x34, s18;
	_ =	sdelay $0x1  }
0x26: {  	s19 =	sshll.u32 s17, $0x4;
	s20 =	sadd.s32 s4, s18;
	s18 =	simm.s32 $0x0  }
0x27: {  	[tilespmem:s18], [sflag:$0x2] =	stream.linear.gather [hbm4b:s20+s18], $0x1A0, $0x38;
	[tilespmem:$0x107A0] =	vst v63  }
0x28: {  	s19 =	sadd.s32 s7, s19;
	_ =	swait.ge [sflag:s10], $0x1A0  }
0x29: {  	s21 =	sshll.u32 s19, $0x2;
	[sflag:s10] =	ssyncset.done $0x0  }
0x2a: {  	s20 =	sadd.s32 s5, s21;
	s21 =	simm.s32 $0x1A0;
	[sflag:s10] =	ssyncadd.s32 $0xFFFFFE60  }
0x2b: {  	[tilespmem:s21], [sflag:$0x2] =	stream.linear.gather [hbm4b:s20+s18], $0x200, $0x38;
	[tilespmem:$0x107A0] =	vst v63  }
0x2c: {  	_ =	swait.ge [sflag:s10], $0x200  }
0x2d: {  	[sflag:s10] =	ssyncset.done $0x0  }
0x2e: {  	[sflag:s10] =	ssyncadd.s32 $0xFFFFFE00  }
0x2f: {  	[tilespmem:s13], [sflag:$0x1] =	stream.indirect.gather [hbm4b:s2+s12], $0x80, s18, s12, $0xb8;
	[tilespmem:$0x107A0] =	vst v63  }
0x30: {  	s22 =	simm.s32 $0x13A0  }
0x31: {  	[tilespmem:s22], [sflag:$0x1] =	stream.indirect.gather [hbm4b:s2+s12], $0x80, s12, s12, $0xb8;
	[tilespmem:$0x107A0] =	vst v63  }
0x32: {  	s21 =	simm.s32 $0x40;
	s22 =	simm.s32 $0x23A0  }
0x33: {  	[tilespmem:s22], [sflag:$0x1] =	stream.indirect.gather [hbm4b:s2+s12], $0x80, s21, s12, $0xb8;
	[tilespmem:$0x107A0] =	vst v63  }
0x34: {  	s21 =	simm.s32 $0x60;
	s22 =	simm.s32 $0x33A0  }
0x35: {  	[tilespmem:s22], [sflag:$0x1] =	stream.indirect.gather [hbm4b:s2+s12], $0x80, s21, s12, $0xb8;
	[tilespmem:$0x107A0] =	vst v63  }
0x36: {  	s21 =	simm.s32 $0x80;
	s22 =	simm.s32 $0x43A0  }
0x37: {  	[tilespmem:s22], [sflag:$0x1] =	stream.indirect.gather [hbm4b:s2+s12], $0x80, s21, s12, $0xb8;
	[tilespmem:$0x107A0] =	vst v63  }
0x38: {  	s21 =	simm.s32 $0xA0;
	s22 =	simm.s32 $0x53A0  }
0x39: {  	[tilespmem:s22], [sflag:$0x1] =	stream.indirect.gather [hbm4b:s2+s12], $0x80, s21, s12, $0xb8;
	[tilespmem:$0x107A0] =	vst v63  }
0x3a: {  	_ = 	snop  }
0x3b: {  	[tilespmem:s24], [sflag:$0x1] =	stream.indirect.gather [hbm4b:s2+s12], $0x80, s23, s12, $0xb8;
	[tilespmem:$0x107A0] =	vst v63  }
0x3c: {  	_ = 	snop  }
0x3d: {  	[tilespmem:s26], [sflag:$0x1] =	stream.indirect.gather [hbm4b:s2+s12], $0x80, s25, s12, $0xb8;
	[tilespmem:$0x107A0] =	vst v63  }
0x3e: {  	_ = 	snop  }
0x3f: {  	[tilespmem:s29], [sflag:$0x1] =	stream.indirect.gather [hbm4b:s2+s12], $0x80, s28, s12, $0xb8;
	[tilespmem:$0x107A0] =	vst v63  }
0x40: {  	_ = 	snop  }
0x41: {  	[tilespmem:s31], [sflag:$0x1] =	stream.indirect.gather [hbm4b:s2+s12], $0x80, s30, s12, $0xb8;
	[tilespmem:$0x107A0] =	vst v63  }
0x42: {  	_ = 	snop  }
0x43: {  	[tilespmem:s3], [sflag:$0x1] =	stream.indirect.gather [hbm4b:s2+s12], $0x80, s0, s12, $0xb8;
	[tilespmem:$0x107A0] =	vst v63  }
0x44: {  	_ = 	snop  }
0x45: {  	[tilespmem:s1], [sflag:$0x1] =	stream.indirect.gather [hbm4b:s2+s12], $0x80, s9, s12, $0xb8;
	[tilespmem:$0x107A0] =	vst v63  }
0x46: {  	_ = 	snop  }
0x47: {  	[tilespmem:s14], [sflag:$0x1] =	stream.indirect.gather [hbm4b:s2+s12], $0x80, s11, s12, $0xb8;
	[tilespmem:$0x107A0] =	vst v63  }
0x48: {  	_ =	swait.ge [sflag:s15], $0xD000  }
0x49: {  	v18 =	vld [tilespmem:$0x1FE90]  }
0x4a: {  	v19 =	vld [tilespmem:$0x1FEA0]  }
0x4b: {  	v20 =	vld [tilespmem:$0x1FEB0]  }
0x4c: {  	v21 =	vld [tilespmem:$0x1FEC0]  }
0x4d: {  	v22 =	vld [tilespmem:$0x1FED0]  }
0x4e: {  	v23 =	vld [tilespmem:$0x1FEE0]  }
0x4f: {  	v24 =	vld [tilespmem:$0x1FEF0]  }
0x50: {  	v25 =	vld [tilespmem:$0x1FF00]  }
0x51: {  	v26 =	vld [tilespmem:$0x1FF10]  }
0x52: {  	v27 =	vld [tilespmem:$0x1FF20]  }
0x53: {  	v28 =	vld [tilespmem:$0x1FF30]  }
0x54: {  	v29 =	vld [tilespmem:$0x1FF40]  }
0x55: {  	v30 =	vld [tilespmem:$0x1FF50]  }
0x56: {  	v31 =	vld [tilespmem:$0x1FF60]  }
0x57: {  	v32 =	vld [tilespmem:$0x1FF70]  }
0x58: {  	v33 =	vld [tilespmem:$0x1FF80]  }
0x59: {  	v34 =	vld [tilespmem:$0x1FF90]  }
0x5a: {  	v35 =	vld [tilespmem:$0x1FFA0]  }
0x5b: {  	v36 =	vld [tilespmem:$0x1FFB0]  }
0x5c: {  	v37 =	vld [tilespmem:$0x1FFC0]  }
0x5d: {  	v38 =	vld [tilespmem:$0x1FFD0]  }
0x5e: {  	[sflag:s15] =	ssyncset.done $0x0;
	v39 =	vld [tilespmem:$0x1FFE0]  }
0x5f: {  	s20 =	simm.s32 $0x1B0;
	s21 =	simm.s32 $0x0;
	v40 =	vld [tilespmem:$0x1FFF0];
	[sflag:s15] =	ssyncadd.s32 $0xFFFF3000  }
.LBB2_3:
0x60: {  	v3 =	vld [tilespmem:s20+$0xFFFFFFF0];
	_ =	sdelay $0x1  }
0x61: {  	v0 =	vadd.s32 s18, v63  }
0x62: {  	vm0 =	vlt.s32 v0, $0x19F  }
0x63: {  	v0 =	vnsel vm0, $0x19F, v0  }
0x64: {  	v2 =	vshll.u32 v0, $0x7;
	v4 =	vand.u32 $0xFFFFFFF8, v3  }
0x65: {  	v0 =	vand.u32 $0x7, v3;
	v4 =	vadd.s32 v2, v4  }
0x66: {  	v5 =	vmov s21;
	v4 =	vor.u32 v0, v4  }
0x67: {  	v0 =	vmul.u32 $0x340, v5;
	_ =	sdelay $0x1  }
0x68: {  	v0 =	vbroadcast v0, $0x0;
	_ =	sdelay $0x1  }
0x69: {  	v8 =	vadd.s32 v1, v0;
	v7 =	vld.idx.msk [tilespmem:v4+s13+$0x0], $0xffff;
	_ =	sdelay $0x1  }
0x6a: {  	v5 =	vadd.s32 $0x1, v3  }
0x6b: {  	v6 =	vand.u32 $0xFFFFFFF8, v5  }
0x6c: {  	v5 =	vand.u32 $0x7, v5;
	v6 =	vadd.s32 v2, v6  }
0x6d: {  	v5 =	vor.u32 v5, v6;
	[tilespmem:v8+s16+$0x0] =	vst.idx.msk $0xffff, v7;
	v8 =	vld [tilespmem:$0x1FE10];
	_ =	sdelay $0x4  }
0x6e: {  	v5 =	vld.idx.msk [tilespmem:v5+s13+$0x0], $0xffff;
	v8 =	vadd.s32 v8, v0;
	_ =	sdelay $0x1  }
0x6f: {  	v6 =	vadd.s32 $0x2, v3  }
0x70: {  	v7 =	vand.u32 $0xFFFFFFF8, v6  }
0x71: {  	v6 =	vand.u32 $0x7, v6;
	v7 =	vadd.s32 v2, v7  }
0x72: {  	v6 =	vor.u32 v6, v7;
	[tilespmem:v8+s16+$0x0] =	vst.idx.msk $0xffff, v5;
	v8 =	vld [tilespmem:$0x1FE20];
	_ =	sdelay $0x4  }
0x73: {  	v6 =	vld.idx.msk [tilespmem:v6+s13+$0x0], $0xffff;
	v8 =	vadd.s32 v8, v0;
	_ =	sdelay $0x1  }
0x74: {  	v7 =	vadd.s32 $0x3, v3  }
0x75: {  	v5 =	vand.u32 $0xFFFFFFF8, v7  }
0x76: {  	v7 =	vand.u32 $0x7, v7;
	v5 =	vadd.s32 v2, v5  }
0x77: {  	v5 =	vor.u32 v7, v5;
	[tilespmem:v8+s16+$0x0] =	vst.idx.msk $0xffff, v6;
	v8 =	vld [tilespmem:$0x1FE30];
	_ =	sdelay $0x4  }
0x78: {  	v5 =	vld.idx.msk [tilespmem:v5+s13+$0x0], $0xffff;
	v8 =	vadd.s32 v8, v0;
	_ =	sdelay $0x1  }
0x79: {  	v7 =	vadd.s32 $0x4, v3  }
0x7a: {  	v6 =	vand.u32 $0xFFFFFFF8, v7  }
0x7b: {  	v7 =	vand.u32 $0x7, v7;
	v6 =	vadd.s32 v2, v6  }
0x7c: {  	v6 =	vor.u32 v7, v6;
	[tilespmem:v8+s16+$0x0] =	vst.idx.msk $0xffff, v5;
	v8 =	vld [tilespmem:$0x1FE40];
	_ =	sdelay $0x4  }
0x7d: {  	v6 =	vld.idx.msk [tilespmem:v6+s13+$0x0], $0xffff;
	v8 =	vadd.s32 v8, v0;
	_ =	sdelay $0x1  }
0x7e: {  	v7 =	vadd.s32 $0x5, v3  }
0x7f: {  	v5 =	vand.u32 $0xFFFFFFF8, v7  }
0x80: {  	v7 =	vand.u32 $0x7, v7;
	v5 =	vadd.s32 v2, v5  }
0x81: {  	v5 =	vor.u32 v7, v5;
	[tilespmem:v8+s16+$0x0] =	vst.idx.msk $0xffff, v6;
	v8 =	vld [tilespmem:$0x1FE50];
	_ =	sdelay $0x4  }
0x82: {  	v5 =	vld.idx.msk [tilespmem:v5+s13+$0x0], $0xffff;
	v8 =	vadd.s32 v8, v0;
	_ =	sdelay $0x1  }
0x83: {  	v7 =	vadd.s32 $0x6, v3  }
0x84: {  	v6 =	vand.u32 $0xFFFFFFF8, v7  }
0x85: {  	v7 =	vand.u32 $0x7, v7;
	v6 =	vadd.s32 v2, v6  }
0x86: {  	v6 =	vor.u32 v7, v6;
	[tilespmem:v8+s16+$0x0] =	vst.idx.msk $0xffff, v5;
	v8 =	vld [tilespmem:$0x1FE60];
	_ =	sdelay $0x4  }
0x87: {  	v6 =	vld.idx.msk [tilespmem:v6+s13+$0x0], $0xffff;
	v8 =	vadd.s32 v8, v0;
	_ =	sdelay $0x1  }
0x88: {  	v7 =	vadd.s32 $0x7, v3  }
0x89: {  	v5 =	vand.u32 $0xFFFFFFF8, v7  }
0x8a: {  	v7 =	vand.u32 $0x7, v7;
	v5 =	vadd.s32 v2, v5  }
0x8b: {  	v5 =	vor.u32 v7, v5;
	[tilespmem:v8+s16+$0x0] =	vst.idx.msk $0xffff, v6;
	v6 =	vld [tilespmem:$0x1FE70];
	_ =	sdelay $0x4  }
0x8c: {  	v5 =	vld.idx.msk [tilespmem:v5+s13+$0x0], $0xffff;
	v6 =	vadd.s32 v6, v0  }
0x8d: {  	v7 =	vadd.s32 $0x8, v4;
	_ =	sdelay $0x3  }
0x8e: {  	[tilespmem:v6+s16+$0x0] =	vst.idx.msk $0xffff, v5  }
0x8f: {  	v6 =	vld.idx.msk [tilespmem:v7+s13+$0x0], $0xffff  }
0x90: {  	v7 =	vld [tilespmem:$0x1FE80];
	_ =	sdelay $0x2  }
0x91: {  	v8 =	vadd.s32 $0x9, v3  }
0x92: {  	v5 =	vand.u32 $0xFFFFFFF8, v8  }
0x93: {  	v8 =	vand.u32 $0x7, v8;
	v5 =	vadd.s32 v2, v5;
	v7 =	vadd.s32 v7, v0  }
0x94: {  	v5 =	vor.u32 v8, v5;
	_ =	sdelay $0x2  }
0x95: {  	v8 =	vadd.s32 $0xA, v3  }
0x96: {  	[tilespmem:v7+s16+$0x0] =	vst.idx.msk $0xffff, v6;
	v6 =	vand.u32 $0xFFFFFFF8, v8  }
0x97: {  	v7 =	vadd.s32 v18, v0;
	v8 =	vand.u32 $0x7, v8;
	v5 =	vld.idx.msk [tilespmem:v5+s13+$0x0], $0xffff;
	v6 =	vadd.s32 v2, v6  }
0x98: {  	v6 =	vor.u32 v8, v6;
	_ =	sdelay $0x2  }
0x99: {  	v8 =	vadd.s32 $0xB, v3  }
0x9a: {  	[tilespmem:v7+s16+$0x0] =	vst.idx.msk $0xffff, v5;
	v5 =	vand.u32 $0xFFFFFFF8, v8  }
0x9b: {  	v7 =	vadd.s32 v19, v0;
	v8 =	vand.u32 $0x7, v8;
	v6 =	vld.idx.msk [tilespmem:v6+s13+$0x0], $0xffff;
	v5 =	vadd.s32 v2, v5  }
0x9c: {  	v5 =	vor.u32 v8, v5;
	_ =	sdelay $0x2  }
0x9d: {  	v8 =	vadd.s32 $0xC, v3  }
0x9e: {  	[tilespmem:v7+s16+$0x0] =	vst.idx.msk $0xffff, v6;
	v6 =	vand.u32 $0xFFFFFFF8, v8  }
0x9f: {  	v7 =	vadd.s32 v20, v0;
	v8 =	vand.u32 $0x7, v8;
	v5 =	vld.idx.msk [tilespmem:v5+s13+$0x0], $0xffff;
	v6 =	vadd.s32 v2, v6  }
0xa0: {  	v6 =	vor.u32 v8, v6;
	_ =	sdelay $0x2  }
0xa1: {  	v8 =	vadd.s32 $0xD, v3  }
0xa2: {  	[tilespmem:v7+s16+$0x0] =	vst.idx.msk $0xffff, v5;
	v5 =	vand.u32 $0xFFFFFFF8, v8  }
0xa3: {  	v7 =	vadd.s32 v21, v0;
	v8 =	vand.u32 $0x7, v8;
	v6 =	vld.idx.msk [tilespmem:v6+s13+$0x0], $0xffff;
	v5 =	vadd.s32 v2, v5  }
0xa4: {  	v5 =	vor.u32 v8, v5;
	_ =	sdelay $0x2  }
0xa5: {  	v8 =	vadd.s32 $0xE, v3  }
0xa6: {  	[tilespmem:v7+s16+$0x0] =	vst.idx.msk $0xffff, v6;
	v6 =	vand.u32 $0xFFFFFFF8, v8  }
0xa7: {  	v7 =	vadd.s32 v22, v0;
	v8 =	vand.u32 $0x7, v8;
	v5 =	vld.idx.msk [tilespmem:v5+s13+$0x0], $0xffff;
	v6 =	vadd.s32 v2, v6  }
0xa8: {  	v6 =	vor.u32 v8, v6;
	_ =	sdelay $0x2  }
0xa9: {  	v8 =	vadd.s32 $0xF, v3  }
0xaa: {  	[tilespmem:v7+s16+$0x0] =	vst.idx.msk $0xffff, v5;
	v5 =	vand.u32 $0xFFFFFFF8, v8  }
0xab: {  	v7 =	vadd.s32 v23, v0;
	v8 =	vand.u32 $0x7, v8;
	v6 =	vld.idx.msk [tilespmem:v6+s13+$0x0], $0xffff;
	v5 =	vadd.s32 v2, v5  }
0xac: {  	v5 =	vor.u32 v8, v5;
	_ =	sdelay $0x3  }
0xad: {  	[tilespmem:v7+s16+$0x0] =	vst.idx.msk $0xffff, v6  }
0xae: {  	v6 =	vadd.s32 v24, v0;
	v5 =	vld.idx.msk [tilespmem:v5+s13+$0x0], $0xffff  }
0xaf: {  	v7 =	vadd.s32 $0x10, v4;
	_ =	sdelay $0x2  }
0xb0: {  	v8 =	vadd.s32 $0x11, v3  }
0xb1: {  	[tilespmem:v6+s16+$0x0] =	vst.idx.msk $0xffff, v5;
	v5 =	vand.u32 $0xFFFFFFF8, v8  }
0xb2: {  	v8 =	vand.u32 $0x7, v8;
	v6 =	vld.idx.msk [tilespmem:v7+s13+$0x0], $0xffff;
	v7 =	vadd.s32 v25, v0;
	v5 =	vadd.s32 v2, v5  }
0xb3: {  	v5 =	vor.u32 v8, v5;
	_ =	sdelay $0x2  }
0xb4: {  	v8 =	vadd.s32 $0x12, v3  }
0xb5: {  	[tilespmem:v7+s16+$0x0] =	vst.idx.msk $0xffff, v6;
	v6 =	vand.u32 $0xFFFFFFF8, v8  }
0xb6: {  	v7 =	vadd.s32 v26, v0;
	v8 =	vand.u32 $0x7, v8;
	v5 =	vld.idx.msk [tilespmem:v5+s13+$0x0], $0xffff;
	v6 =	vadd.s32 v2, v6  }
0xb7: {  	v6 =	vor.u32 v8, v6;
	_ =	sdelay $0x2  }
0xb8: {  	v8 =	vadd.s32 $0x13, v3  }
0xb9: {  	[tilespmem:v7+s16+$0x0] =	vst.idx.msk $0xffff, v5;
	v5 =	vand.u32 $0xFFFFFFF8, v8  }
0xba: {  	v7 =	vadd.s32 v27, v0;
	v8 =	vand.u32 $0x7, v8;
	v6 =	vld.idx.msk [tilespmem:v6+s13+$0x0], $0xffff;
	v5 =	vadd.s32 v2, v5  }
0xbb: {  	v5 =	vor.u32 v8, v5;
	_ =	sdelay $0x2  }
0xbc: {  	v8 =	vadd.s32 $0x14, v3  }
0xbd: {  	[tilespmem:v7+s16+$0x0] =	vst.idx.msk $0xffff, v6;
	v6 =	vand.u32 $0xFFFFFFF8, v8  }
0xbe: {  	v7 =	vadd.s32 v28, v0;
	v8 =	vand.u32 $0x7, v8;
	v5 =	vld.idx.msk [tilespmem:v5+s13+$0x0], $0xffff;
	v6 =	vadd.s32 v2, v6  }
0xbf: {  	v6 =	vor.u32 v8, v6;
	_ =	sdelay $0x2  }
0xc0: {  	v8 =	vadd.s32 $0x15, v3  }
0xc1: {  	[tilespmem:v7+s16+$0x0] =	vst.idx.msk $0xffff, v5;
	v5 =	vand.u32 $0xFFFFFFF8, v8  }
0xc2: {  	v7 =	vadd.s32 v29, v0;
	v8 =	vand.u32 $0x7, v8;
	v6 =	vld.idx.msk [tilespmem:v6+s13+$0x0], $0xffff;
	v5 =	vadd.s32 v2, v5  }
0xc3: {  	v5 =	vor.u32 v8, v5;
	_ =	sdelay $0x2  }
0xc4: {  	v8 =	vadd.s32 $0x16, v3  }
0xc5: {  	[tilespmem:v7+s16+$0x0] =	vst.idx.msk $0xffff, v6;
	v6 =	vand.u32 $0xFFFFFFF8, v8  }
0xc6: {  	v7 =	vadd.s32 v30, v0;
	v8 =	vand.u32 $0x7, v8;
	v5 =	vld.idx.msk [tilespmem:v5+s13+$0x0], $0xffff;
	v6 =	vadd.s32 v2, v6  }
0xc7: {  	v6 =	vor.u32 v8, v6;
	_ =	sdelay $0x2  }
0xc8: {  	v8 =	vadd.s32 $0x17, v3  }
0xc9: {  	[tilespmem:v7+s16+$0x0] =	vst.idx.msk $0xffff, v5;
	v5 =	vand.u32 $0xFFFFFFF8, v8  }
0xca: {  	v7 =	vadd.s32 v31, v0;
	v8 =	vand.u32 $0x7, v8;
	v6 =	vld.idx.msk [tilespmem:v6+s13+$0x0], $0xffff;
	v5 =	vadd.s32 v2, v5  }
0xcb: {  	v5 =	vor.u32 v8, v5;
	_ =	sdelay $0x3  }
0xcc: {  	[tilespmem:v7+s16+$0x0] =	vst.idx.msk $0xffff, v6  }
0xcd: {  	v6 =	vadd.s32 v32, v0;
	v5 =	vld.idx.msk [tilespmem:v5+s13+$0x0], $0xffff  }
0xce: {  	v4 =	vadd.s32 $0x18, v4;
	_ =	sdelay $0x2  }
0xcf: {  	v7 =	vadd.s32 $0x19, v3  }
0xd0: {  	[tilespmem:v6+s16+$0x0] =	vst.idx.msk $0xffff, v5;
	v5 =	vand.u32 $0xFFFFFFF8, v7  }
0xd1: {  	v6 =	vadd.s32 v33, v0;
	v7 =	vand.u32 $0x7, v7;
	v4 =	vld.idx.msk [tilespmem:v4+s13+$0x0], $0xffff;
	v5 =	vadd.s32 v2, v5  }
0xd2: {  	v5 =	vor.u32 v7, v5;
	_ =	sdelay $0x2  }
0xd3: {  	v7 =	vadd.s32 $0x1A, v3  }
0xd4: {  	[tilespmem:v6+s16+$0x0] =	vst.idx.msk $0xffff, v4;
	v4 =	vand.u32 $0xFFFFFFF8, v7  }
0xd5: {  	v6 =	vadd.s32 v34, v0;
	v7 =	vand.u32 $0x7, v7;
	v5 =	vld.idx.msk [tilespmem:v5+s13+$0x0], $0xffff;
	v4 =	vadd.s32 v2, v4  }
0xd6: {  	v4 =	vor.u32 v7, v4;
	_ =	sdelay $0x2  }
0xd7: {  	v7 =	vadd.s32 $0x1B, v3  }
0xd8: {  	[tilespmem:v6+s16+$0x0] =	vst.idx.msk $0xffff, v5;
	v5 =	vand.u32 $0xFFFFFFF8, v7  }
0xd9: {  	v6 =	vadd.s32 v35, v0;
	v7 =	vand.u32 $0x7, v7;
	v4 =	vld.idx.msk [tilespmem:v4+s13+$0x0], $0xffff;
	v5 =	vadd.s32 v2, v5  }
0xda: {  	v5 =	vor.u32 v7, v5;
	_ =	sdelay $0x2  }
0xdb: {  	v7 =	vadd.s32 $0x1C, v3  }
0xdc: {  	[tilespmem:v6+s16+$0x0] =	vst.idx.msk $0xffff, v4;
	v4 =	vand.u32 $0xFFFFFFF8, v7  }
0xdd: {  	v6 =	vadd.s32 v36, v0;
	v7 =	vand.u32 $0x7, v7;
	v5 =	vld.idx.msk [tilespmem:v5+s13+$0x0], $0xffff;
	v4 =	vadd.s32 v2, v4  }
0xde: {  	v4 =	vor.u32 v7, v4;
	_ =	sdelay $0x2  }
0xdf: {  	v7 =	vadd.s32 $0x1D, v3  }
0xe0: {  	[tilespmem:v6+s16+$0x0] =	vst.idx.msk $0xffff, v5;
	v5 =	vand.u32 $0xFFFFFFF8, v7  }
0xe1: {  	v6 =	vadd.s32 v37, v0;
	v7 =	vand.u32 $0x7, v7;
	v4 =	vld.idx.msk [tilespmem:v4+s13+$0x0], $0xffff;
	v5 =	vadd.s32 v2, v5  }
0xe2: {  	v5 =	vor.u32 v7, v5;
	_ =	sdelay $0x2  }
0xe3: {  	v7 =	vadd.s32 $0x1E, v3  }
0xe4: {  	[tilespmem:v6+s16+$0x0] =	vst.idx.msk $0xffff, v4;
	v4 =	vand.u32 $0xFFFFFFF8, v7  }
0xe5: {  	v6 =	vadd.s32 v38, v0;
	v7 =	vand.u32 $0x7, v7;
	v5 =	vld.idx.msk [tilespmem:v5+s13+$0x0], $0xffff;
	v4 =	vadd.s32 v2, v4  }
0xe6: {  	v4 =	vor.u32 v7, v4;
	_ =	sdelay $0x2  }
0xe7: {  	v3 =	vadd.s32 $0x1F, v3  }
0xe8: {  	[tilespmem:v6+s16+$0x0] =	vst.idx.msk $0xffff, v5;
	v5 =	vand.u32 $0xFFFFFFF8, v3  }
0xe9: {  	v6 =	vadd.s32 v39, v0;
	v3 =	vand.u32 $0x7, v3;
	v4 =	vld.idx.msk [tilespmem:v4+s13+$0x0], $0xffff;
	v2 =	vadd.s32 v2, v5  }
0xea: {  	v2 =	vor.u32 v3, v2;
	_ =	sdelay $0x3  }
0xeb: {  	[tilespmem:v6+s16+$0x0] =	vst.idx.msk $0xffff, v4  }
0xec: {  	v3 =	vadd.s32 v40, v0;
	v2 =	vld.idx.msk [tilespmem:v2+s13+$0x0], $0xffff;
	_ =	sdelay $0x4  }
0xed: {  	[tilespmem:v3+s16+$0x0] =	vst.idx.msk $0xffff, v2  }
0xee: {  	v2 =	vld [tilespmem:s20+$0x0]  }
0xef: {  	s22 =	sadd.s32 $0x10, s18  }
0xf0: {  	v3 =	vadd.s32 s22, v63  }
0xf1: {  	vm15 =	vlt.s32 v3, $0x19F  }
0xf2: {  	v3 =	vnsel vm15, $0x19F, v3  }
0xf3: {  	v3 =	vshll.u32 v3, $0x7;
	v4 =	vand.u32 $0xFFFFFFF8, v2  }
0xf4: {  	v5 =	vand.u32 $0x7, v2;
	v4 =	vadd.s32 v3, v4  }
0xf5: {  	v4 =	vor.u32 v5, v4;
	_ =	sdelay $0x2  }
0xf6: {  	v5 =	vadd.s32 $0x1, v2  }
0xf7: {  	v6 =	vand.u32 $0xFFFFFFF8, v5  }
0xf8: {  	v8 =	vadd.s32 v9, v0;
	v5 =	vand.u32 $0x7, v5;
	v6 =	vadd.s32 v3, v6;
	v7 =	vld.idx.msk [tilespmem:v4+s13+$0x0], $0xffff  }
0xf9: {  	v5 =	vor.u32 v5, v6;
	_ =	sdelay $0x2  }
0xfa: {  	v6 =	vadd.s32 $0x2, v2  }
0xfb: {  	[tilespmem:v8+s16+$0x0] =	vst.idx.msk $0x3ff, v7;
	v7 =	vand.u32 $0xFFFFFFF8, v6  }
0xfc: {  	v8 =	vadd.s32 v41, v0;
	v6 =	vand.u32 $0x7, v6;
	v5 =	vld.idx.msk [tilespmem:v5+s13+$0x0], $0xffff;
	v7 =	vadd.s32 v3, v7  }
0xfd: {  	v6 =	vor.u32 v6, v7;
	_ =	sdelay $0x2  }
0xfe: {  	v7 =	vadd.s32 $0x3, v2  }
0xff: {  	[tilespmem:v8+s16+$0x0] =	vst.idx.msk $0x3ff, v5;
	v5 =	vand.u32 $0xFFFFFFF8, v7  }
0x100: {  	v8 =	vadd.s32 v42, v0;
	v7 =	vand.u32 $0x7, v7;
	v6 =	vld.idx.msk [tilespmem:v6+s13+$0x0], $0xffff;
	v5 =	vadd.s32 v3, v5  }
0x101: {  	v5 =	vor.u32 v7, v5;
	_ =	sdelay $0x2  }
0x102: {  	v7 =	vadd.s32 $0x4, v2  }
0x103: {  	[tilespmem:v8+s16+$0x0] =	vst.idx.msk $0x3ff, v6;
	v6 =	vand.u32 $0xFFFFFFF8, v7  }
0x104: {  	v8 =	vadd.s32 v43, v0;
	v7 =	vand.u32 $0x7, v7;
	v5 =	vld.idx.msk [tilespmem:v5+s13+$0x0], $0xffff;
	v6 =	vadd.s32 v3, v6  }
0x105: {  	v6 =	vor.u32 v7, v6;
	_ =	sdelay $0x2  }
0x106: {  	v7 =	vadd.s32 $0x5, v2  }
0x107: {  	[tilespmem:v8+s16+$0x0] =	vst.idx.msk $0x3ff, v5;
	v5 =	vand.u32 $0xFFFFFFF8, v7  }
0x108: {  	v8 =	vadd.s32 v44, v0;
	v7 =	vand.u32 $0x7, v7;
	v6 =	vld.idx.msk [tilespmem:v6+s13+$0x0], $0xffff;
	v5 =	vadd.s32 v3, v5  }
0x109: {  	v5 =	vor.u32 v7, v5;
	_ =	sdelay $0x2  }
0x10a: {  	v7 =	vadd.s32 $0x6, v2  }
0x10b: {  	[tilespmem:v8+s16+$0x0] =	vst.idx.msk $0x3ff, v6;
	v6 =	vand.u32 $0xFFFFFFF8, v7  }
0x10c: {  	v8 =	vadd.s32 v45, v0;
	v7 =	vand.u32 $0x7, v7;
	v5 =	vld.idx.msk [tilespmem:v5+s13+$0x0], $0xffff;
	v6 =	vadd.s32 v3, v6  }
0x10d: {  	v6 =	vor.u32 v7, v6;
	_ =	sdelay $0x2  }
0x10e: {  	v7 =	vadd.s32 $0x7, v2  }
0x10f: {  	[tilespmem:v8+s16+$0x0] =	vst.idx.msk $0x3ff, v5;
	v5 =	vand.u32 $0xFFFFFFF8, v7  }
0x110: {  	v8 =	vadd.s32 v46, v0;
	v7 =	vand.u32 $0x7, v7;
	v6 =	vld.idx.msk [tilespmem:v6+s13+$0x0], $0xffff;
	v5 =	vadd.s32 v3, v5  }
0x111: {  	v5 =	vor.u32 v7, v5;
	_ =	sdelay $0x3  }
0x112: {  	[tilespmem:v8+s16+$0x0] =	vst.idx.msk $0x3ff, v6  }
0x113: {  	v6 =	vadd.s32 v47, v0;
	v5 =	vld.idx.msk [tilespmem:v5+s13+$0x0], $0xffff  }
0x114: {  	v7 =	vadd.s32 $0x8, v4;
	_ =	sdelay $0x2  }
0x115: {  	v8 =	vadd.s32 $0x9, v2  }
0x116: {  	[tilespmem:v6+s16+$0x0] =	vst.idx.msk $0x3ff, v5;
	v5 =	vand.u32 $0xFFFFFFF8, v8  }
0x117: {  	v8 =	vand.u32 $0x7, v8;
	v6 =	vld.idx.msk [tilespmem:v7+s13+$0x0], $0xffff;
	v7 =	vadd.s32 v48, v0;
	v5 =	vadd.s32 v3, v5  }
0x118: {  	v5 =	vor.u32 v8, v5;
	_ =	sdelay $0x2  }
0x119: {  	v8 =	vadd.s32 $0xA, v2  }
0x11a: {  	[tilespmem:v7+s16+$0x0] =	vst.idx.msk $0x3ff, v6;
	v6 =	vand.u32 $0xFFFFFFF8, v8  }
0x11b: {  	v7 =	vadd.s32 v49, v0;
	v8 =	vand.u32 $0x7, v8;
	v5 =	vld.idx.msk [tilespmem:v5+s13+$0x0], $0xffff;
	v6 =	vadd.s32 v3, v6  }
0x11c: {  	v6 =	vor.u32 v8, v6;
	_ =	sdelay $0x2  }
0x11d: {  	v8 =	vadd.s32 $0xB, v2  }
0x11e: {  	[tilespmem:v7+s16+$0x0] =	vst.idx.msk $0x3ff, v5;
	v5 =	vand.u32 $0xFFFFFFF8, v8  }
0x11f: {  	v7 =	vadd.s32 v50, v0;
	v8 =	vand.u32 $0x7, v8;
	v6 =	vld.idx.msk [tilespmem:v6+s13+$0x0], $0xffff;
	v5 =	vadd.s32 v3, v5  }
0x120: {  	v5 =	vor.u32 v8, v5;
	_ =	sdelay $0x2  }
0x121: {  	v8 =	vadd.s32 $0xC, v2  }
0x122: {  	[tilespmem:v7+s16+$0x0] =	vst.idx.msk $0x3ff, v6;
	v6 =	vand.u32 $0xFFFFFFF8, v8  }
0x123: {  	v7 =	vadd.s32 v51, v0;
	v8 =	vand.u32 $0x7, v8;
	v5 =	vld.idx.msk [tilespmem:v5+s13+$0x0], $0xffff;
	v6 =	vadd.s32 v3, v6  }
0x124: {  	v6 =	vor.u32 v8, v6;
	_ =	sdelay $0x2  }
0x125: {  	v8 =	vadd.s32 $0xD, v2  }
0x126: {  	[tilespmem:v7+s16+$0x0] =	vst.idx.msk $0x3ff, v5;
	v5 =	vand.u32 $0xFFFFFFF8, v8  }
0x127: {  	v7 =	vadd.s32 v52, v0;
	v8 =	vand.u32 $0x7, v8;
	v6 =	vld.idx.msk [tilespmem:v6+s13+$0x0], $0xffff;
	v5 =	vadd.s32 v3, v5  }
0x128: {  	v5 =	vor.u32 v8, v5;
	_ =	sdelay $0x2  }
0x129: {  	v8 =	vadd.s32 $0xE, v2  }
0x12a: {  	[tilespmem:v7+s16+$0x0] =	vst.idx.msk $0x3ff, v6;
	v6 =	vand.u32 $0xFFFFFFF8, v8  }
0x12b: {  	v7 =	vadd.s32 v53, v0;
	v8 =	vand.u32 $0x7, v8;
	v5 =	vld.idx.msk [tilespmem:v5+s13+$0x0], $0xffff;
	v6 =	vadd.s32 v3, v6  }
0x12c: {  	v6 =	vor.u32 v8, v6;
	_ =	sdelay $0x2  }
0x12d: {  	v8 =	vadd.s32 $0xF, v2  }
0x12e: {  	[tilespmem:v7+s16+$0x0] =	vst.idx.msk $0x3ff, v5;
	v5 =	vand.u32 $0xFFFFFFF8, v8  }
0x12f: {  	v7 =	vadd.s32 v54, v0;
	v8 =	vand.u32 $0x7, v8;
	v6 =	vld.idx.msk [tilespmem:v6+s13+$0x0], $0xffff;
	v5 =	vadd.s32 v3, v5  }
0x130: {  	v5 =	vor.u32 v8, v5;
	_ =	sdelay $0x3  }
0x131: {  	[tilespmem:v7+s16+$0x0] =	vst.idx.msk $0x3ff, v6  }
0x132: {  	v6 =	vadd.s32 v55, v0;
	v5 =	vld.idx.msk [tilespmem:v5+s13+$0x0], $0xffff  }
0x133: {  	v7 =	vadd.s32 $0x10, v4;
	_ =	sdelay $0x2  }
0x134: {  	v8 =	vadd.s32 $0x11, v2  }
0x135: {  	[tilespmem:v6+s16+$0x0] =	vst.idx.msk $0x3ff, v5;
	v5 =	vand.u32 $0xFFFFFFF8, v8  }
0x136: {  	v8 =	vand.u32 $0x7, v8;
	v6 =	vld.idx.msk [tilespmem:v7+s13+$0x0], $0xffff;
	v7 =	vadd.s32 v56, v0;
	v5 =	vadd.s32 v3, v5  }
0x137: {  	v5 =	vor.u32 v8, v5;
	_ =	sdelay $0x2  }
0x138: {  	v8 =	vadd.s32 $0x12, v2  }
0x139: {  	[tilespmem:v7+s16+$0x0] =	vst.idx.msk $0x3ff, v6;
	v6 =	vand.u32 $0xFFFFFFF8, v8  }
0x13a: {  	v7 =	vadd.s32 v57, v0;
	v8 =	vand.u32 $0x7, v8;
	v5 =	vld.idx.msk [tilespmem:v5+s13+$0x0], $0xffff;
	v6 =	vadd.s32 v3, v6  }
0x13b: {  	v6 =	vor.u32 v8, v6;
	_ =	sdelay $0x2  }
0x13c: {  	v8 =	vadd.s32 $0x13, v2  }
0x13d: {  	[tilespmem:v7+s16+$0x0] =	vst.idx.msk $0x3ff, v5;
	v5 =	vand.u32 $0xFFFFFFF8, v8  }
0x13e: {  	v7 =	vadd.s32 v58, v0;
	v8 =	vand.u32 $0x7, v8;
	v6 =	vld.idx.msk [tilespmem:v6+s13+$0x0], $0xffff;
	v5 =	vadd.s32 v3, v5  }
0x13f: {  	v5 =	vor.u32 v8, v5;
	_ =	sdelay $0x2  }
0x140: {  	v8 =	vadd.s32 $0x14, v2  }
0x141: {  	[tilespmem:v7+s16+$0x0] =	vst.idx.msk $0x3ff, v6;
	v6 =	vand.u32 $0xFFFFFFF8, v8  }
0x142: {  	v7 =	vadd.s32 v59, v0;
	v8 =	vand.u32 $0x7, v8;
	v5 =	vld.idx.msk [tilespmem:v5+s13+$0x0], $0xffff;
	v6 =	vadd.s32 v3, v6  }
0x143: {  	v6 =	vor.u32 v8, v6;
	_ =	sdelay $0x2  }
0x144: {  	v8 =	vadd.s32 $0x15, v2  }
0x145: {  	[tilespmem:v7+s16+$0x0] =	vst.idx.msk $0x3ff, v5;
	v5 =	vand.u32 $0xFFFFFFF8, v8  }
0x146: {  	v7 =	vadd.s32 v60, v0;
	v8 =	vand.u32 $0x7, v8;
	v6 =	vld.idx.msk [tilespmem:v6+s13+$0x0], $0xffff;
	v5 =	vadd.s32 v3, v5  }
0x147: {  	v5 =	vor.u32 v8, v5;
	_ =	sdelay $0x2  }
0x148: {  	v8 =	vadd.s32 $0x16, v2  }
0x149: {  	[tilespmem:v7+s16+$0x0] =	vst.idx.msk $0x3ff, v6;
	v6 =	vand.u32 $0xFFFFFFF8, v8  }
0x14a: {  	v7 =	vadd.s32 v61, v0;
	v8 =	vand.u32 $0x7, v8;
	v5 =	vld.idx.msk [tilespmem:v5+s13+$0x0], $0xffff;
	v6 =	vadd.s32 v3, v6  }
0x14b: {  	v6 =	vor.u32 v8, v6;
	_ =	sdelay $0x2  }
0x14c: {  	v8 =	vadd.s32 $0x17, v2  }
0x14d: {  	[tilespmem:v7+s16+$0x0] =	vst.idx.msk $0x3ff, v5;
	v5 =	vand.u32 $0xFFFFFFF8, v8  }
0x14e: {  	v7 =	vadd.s32 v62, v0;
	v8 =	vand.u32 $0x7, v8;
	v6 =	vld.idx.msk [tilespmem:v6+s13+$0x0], $0xffff;
	v5 =	vadd.s32 v3, v5  }
0x14f: {  	v5 =	vor.u32 v8, v5;
	_ =	sdelay $0x3  }
0x150: {  	[tilespmem:v7+s16+$0x0] =	vst.idx.msk $0x3ff, v6  }
0x151: {  	v6 =	vadd.s32 v10, v0;
	v5 =	vld.idx.msk [tilespmem:v5+s13+$0x0], $0xffff  }
0x152: {  	v4 =	vadd.s32 $0x18, v4;
	_ =	sdelay $0x2  }
0x153: {  	v7 =	vadd.s32 $0x19, v2  }
0x154: {  	[tilespmem:v6+s16+$0x0] =	vst.idx.msk $0x3ff, v5;
	v5 =	vand.u32 $0xFFFFFFF8, v7  }
0x155: {  	v6 =	vadd.s32 v11, v0;
	v7 =	vand.u32 $0x7, v7;
	v4 =	vld.idx.msk [tilespmem:v4+s13+$0x0], $0xffff;
	v5 =	vadd.s32 v3, v5  }
0x156: {  	v5 =	vor.u32 v7, v5;
	_ =	sdelay $0x2  }
0x157: {  	v7 =	vadd.s32 $0x1A, v2  }
0x158: {  	[tilespmem:v6+s16+$0x0] =	vst.idx.msk $0x3ff, v4;
	v4 =	vand.u32 $0xFFFFFFF8, v7  }
0x159: {  	v6 =	vadd.s32 v12, v0;
	v7 =	vand.u32 $0x7, v7;
	v5 =	vld.idx.msk [tilespmem:v5+s13+$0x0], $0xffff;
	v4 =	vadd.s32 v3, v4  }
0x15a: {  	v4 =	vor.u32 v7, v4;
	_ =	sdelay $0x2  }
0x15b: {  	v7 =	vadd.s32 $0x1B, v2  }
0x15c: {  	[tilespmem:v6+s16+$0x0] =	vst.idx.msk $0x3ff, v5;
	v5 =	vand.u32 $0xFFFFFFF8, v7  }
0x15d: {  	v6 =	vadd.s32 v13, v0;
	v7 =	vand.u32 $0x7, v7;
	v4 =	vld.idx.msk [tilespmem:v4+s13+$0x0], $0xffff;
	v5 =	vadd.s32 v3, v5  }
0x15e: {  	v5 =	vor.u32 v7, v5;
	_ =	sdelay $0x2  }
0x15f: {  	v7 =	vadd.s32 $0x1C, v2  }
0x160: {  	[tilespmem:v6+s16+$0x0] =	vst.idx.msk $0x3ff, v4;
	v4 =	vand.u32 $0xFFFFFFF8, v7  }
0x161: {  	v6 =	vadd.s32 v14, v0;
	v7 =	vand.u32 $0x7, v7;
	v5 =	vld.idx.msk [tilespmem:v5+s13+$0x0], $0xffff;
	v4 =	vadd.s32 v3, v4  }
0x162: {  	v4 =	vor.u32 v7, v4;
	_ =	sdelay $0x2  }
0x163: {  	v7 =	vadd.s32 $0x1D, v2  }
0x164: {  	[tilespmem:v6+s16+$0x0] =	vst.idx.msk $0x3ff, v5;
	v5 =	vand.u32 $0xFFFFFFF8, v7  }
0x165: {  	v6 =	vadd.s32 v15, v0;
	v7 =	vand.u32 $0x7, v7;
	v4 =	vld.idx.msk [tilespmem:v4+s13+$0x0], $0xffff;
	v5 =	vadd.s32 v3, v5  }
0x166: {  	v5 =	vor.u32 v7, v5;
	_ =	sdelay $0x2  }
0x167: {  	v7 =	vadd.s32 $0x1E, v2  }
0x168: {  	[tilespmem:v6+s16+$0x0] =	vst.idx.msk $0x3ff, v4;
	v4 =	vand.u32 $0xFFFFFFF8, v7  }
0x169: {  	v6 =	vadd.s32 v16, v0;
	v7 =	vand.u32 $0x7, v7;
	v5 =	vld.idx.msk [tilespmem:v5+s13+$0x0], $0xffff;
	v4 =	vadd.s32 v3, v4  }
0x16a: {  	v4 =	vor.u32 v7, v4;
	_ =	sdelay $0x2  }
0x16b: {  	v2 =	vadd.s32 $0x1F, v2  }
0x16c: {  	[tilespmem:v6+s16+$0x0] =	vst.idx.msk $0x3ff, v5;
	v5 =	vand.u32 $0xFFFFFFF8, v2  }
0x16d: {  	v2 =	vand.u32 $0x7, v2;
	v4 =	vld.idx.msk [tilespmem:v4+s13+$0x0], $0xffff;
	v3 =	vadd.s32 v3, v5;
	v5 =	vadd.s32 v17, v0  }
0x16e: {  	v2 =	vor.u32 v2, v3;
	_ =	sdelay $0x3  }
0x16f: {  	v3 =	vor.u32 $0x21F, v1;
	[tilespmem:v5+s16+$0x0] =	vst.idx.msk $0x3ff, v4  }
0x170: {  	p0 =	sne.s32 s21, $0xF;
	v0 =	vadd.s32 v3, v0;
	v2 =	vld.idx.msk [tilespmem:v2+s13+$0x0], $0xffff  }
.Ltmp0:
0x171: {  	_ = 	snop;
	(pc) =	sbr.rel @p0 .LBB2_3-.Ltmp0, $2  }
0x172: {  	_ =	sdelay $0x2  }
0x173: {  	s18 =	sadd.s32 $0x1A, s18;
	s21 =	sadd.s32 $0x1, s21;
	s20 =	sadd.s32 $0x20, s20;
	[tilespmem:v0+s16+$0x0] =	vst.idx.msk $0x3ff, v2  }
0x174: {  	s18 =	smul.u32 $0x68, s19;
	s17 =	sadd.s32 $0x1, s17  }
0x175: {  	p0 =	sne.s32 s17, $0x20  }
.Ltmp1:
0x176: {  	s22 =	simm.s32 $0x0;
	s18 =	sadd.s32 s6, s18;
	(pc) =	sbr.rel @p0 .LBB2_2-.Ltmp1, $4  }
0x177: {  	[hbm4b:s18+s22] =	stream.linear.scatter [tilespmem:s16], [sflag:$0x2], $0x3400, $0x38;
	[tilespmem:$0x107A0] =	vst v63  }
0x178: {  	_ =	swait.ge [sflag:s10], $0x3400  }
0x179: {  	[sflag:s10] =	ssyncset.done $0x0  }
0x17a: {  	[sflag:s10] =	ssyncadd.s32 $0xFFFFCC00  }
0x17b: {  	s18 =	rddreg [dreg:$0x3]  }
0x17c: {  	s17 =	rddreg [dreg:$0x2];
	s18 =	sadd.s32 $0x1, s18  }
0x17d: {  	p0 =	sne.s32 s18, s17  }
.Ltmp2:
0x17e: {  	_ = 	snop;
	(pc) =	sbr.rel @p0 .LBB2_1-.Ltmp2, $1  }
0x17f: {  	_ =	sdelay $0x3  }
0x180: {  	_ =	sfence.sel $0x180000  }
0x181: {  	[bflag:$0x0] =	sbarrier.arrive $0xFFFF  }
0x182: {  	_ =	strace $0x90000047  }
0x183: {  	s0 =	stileid.u32;
	[bflag:$0x2] =	sbarrier.arrive $0xFFFF  }
0x184: {  	p0 =	sne.s32 s0, $0x0;
	s0 =	rddreg [dreg:$0x1]  }
0x185: {  	s0 =	sadd.s32 @!p0 $0x100000, s0  }
0x186: {  	[sflag:s0] =	ssyncadd.tile.s32 @!p0 $0x1;
	_ =	shalt  }
.Lfunc_end2:
_tile_overlayer_lowered:
.L_overlay_start_2:
0x187: {  	(tag) =	ssettag $0x2  }
0x188: {  	s0 =	rddreg [dreg:$0x0];
	s2 =	stileid.u32  }
0x189: {  	s1 =	rddreg [dreg:$0x1];
	p0 =	sne.s32 s2, $0x0  }
0x18a: {  	s3 =	rddreg [dreg:$0x2];
	[bflag:$0x3] =	sbarrier.arrive $0xFFFF;
	s2 =	simm.s32 @!p0 $0x1C02  }
0x18b: {  	[timem:s3], [sflag:s2] =	dma.local @!p0 [hbm:s0], s1  }
0x18c: {  	s0 =	simm.s32 @!p0 $0x2  }
0x18d: {  	_ =	swait.ge @!p0 [sflag:s0], s1  }
0x18e: {  	s1 =	ssub.s32 @!p0 $0x0, s1;
	[sflag:s0] =	ssyncset.done @!p0 $0x0  }
0x18f: {  	[sflag:s0] =	ssyncadd.s32 @!p0 s1  }
0x190: {  	[bflag:$0x3] =	sbarrier.arrive $0xFFFF  }
0x191: {  	_ =	shalt  }

</sc_bundles>
